<compile_context>
chip_gen: v7x
topology: tpu7x:2x2x1
jax: 0.10.2.dev20260603
libtpu: 0.0.44.dev20260713+nightly
codegen_flags: <defaults>
</compile_context>

<pallas_src>
import functools

import jax
import jax.numpy as jnp
from jax import lax
from jax.experimental import pallas as pl
from jax.experimental.pallas import tpu as pltpu
from jax.experimental.pallas import tpu_sc as plsc

ROWS = 576
VOCAB = 100000
NEG_INF = float("-inf")
BIG_I32 = 2**31 - 1

SC_ROWS = 256
TC_ROWS = ROWS - SC_ROWS
CHUNK = 4096
NCHUNK = (VOCAB + CHUNK - 1) // CHUNK

NW = 32
RPW = 8
SCCH = 6400
NUNI = 15
SC_COLS = (VOCAB // 128) * 128
SCTAIL = SC_COLS - NUNI * SCCH
ITERS_U = SCCH // 16
ITERS_T = SCTAIL // 16


def _tc_argmax_body(x_ref, out_ref, best_val, best_idx):
    i = pl.program_id(0)

    @pl.when(i == 0)
    def _():
        best_val[...] = jnp.full((TC_ROWS, 1), NEG_INF, jnp.float32)
        best_idx[...] = jnp.zeros((TC_ROWS, 1), jnp.int32)

    def _update(xm, col):
        m = jnp.max(xm, axis=1, keepdims=True)
        idx = jnp.min(jnp.where(xm == m, col, BIG_I32), axis=1, keepdims=True)
        better = m > best_val[...]
        best_val[...] = jnp.where(better, m, best_val[...])
        best_idx[...] = jnp.where(better, idx, best_idx[...])

    col = jax.lax.broadcasted_iota(jnp.int32, (TC_ROWS, CHUNK), 1) + i * CHUNK

    @pl.when(i < NCHUNK - 1)
    def _():
        _update(x_ref[...], col)

    @pl.when(i == NCHUNK - 1)
    def _():
        _update(jnp.where(col < VOCAB, x_ref[...], NEG_INF), col)
        out_ref[...] = best_idx[...]


@functools.partial(
    pl.kernel,
    out_type=(jax.ShapeDtypeStruct((SC_ROWS * 16,), jnp.int32),
              jax.ShapeDtypeStruct((SC_ROWS * 16,), jnp.float32)),
    mesh=plsc.VectorSubcoreMesh(core_axis_name="c", subcore_axis_name="s"),
    scratch_types=[
        pltpu.VMEM((RPW, SCCH), jnp.float32),
        pltpu.VMEM((RPW, SCCH), jnp.float32),
        pltpu.VMEM((RPW * 16,), jnp.float32),
        pltpu.VMEM((RPW * 16,), jnp.int32),
        pltpu.VMEM((RPW * 16,), jnp.int32),
        pltpu.VMEM((RPW * 16,), jnp.float32),
        pltpu.SemaphoreType.DMA,
        pltpu.SemaphoreType.DMA,
    ],
)
def _sc_argmax(tp_hbm, outc_hbm, outv_hbm, buf0, buf1,
               bv_ref, bj_ref, resc_ref, resv_ref, sem0, sem1):
    wid = lax.axis_index("s") * 2 + lax.axis_index("c")
    lane = lax.iota(jnp.int32, 16)
    row0 = TC_ROWS + wid * RPW

    def init_row(r, _):
        bv_ref[pl.ds(r * 16, 16)] = jnp.full((16,), NEG_INF, jnp.float32)
        bj_ref[pl.ds(r * 16, 16)] = jnp.zeros((16,), jnp.int32)
        return 0

    lax.fori_loop(0, RPW, init_row, 0)

    def start(chunk, buf, sem, width=SCCH):
        off = pl.multiple_of(chunk * SCCH, 128)
        return pltpu.async_copy(
            tp_hbm.at[pl.ds(row0, RPW), pl.ds(off, width)],
            buf.at[:, pl.ds(0, width)], sem)

    def wait(buf, sem, width=SCCH):
        pltpu.make_async_copy(
            tp_hbm.at[pl.ds(row0, RPW), pl.ds(0, width)],
            buf.at[:, pl.ds(0, width)], sem).wait()

    def scan_chunk(buf, base, iters, unroll):
        def row_body(r, _):
            pv = bv_ref[pl.ds(r * 16, 16)]
            pj = bj_ref[pl.ds(r * 16, 16)]

            def body(j, carry):
                pv, pj = carry
                for u in range(unroll):
                    x = buf[r, pl.ds(j * (unroll * 16) + u * 16, 16)]
                    better = x > pv
                    pv = jnp.where(better, x, pv)
                    pj = jnp.where(
                        better,
                        jnp.full((16,), base + j * unroll + u, jnp.int32), pj)
                return pv, pj

            pv, pj = lax.fori_loop(0, iters // unroll, body, (pv, pj))
            bv_ref[pl.ds(r * 16, 16)] = pv
            bj_ref[pl.ds(r * 16, 16)] = pj
            return 0

        lax.fori_loop(0, RPW, row_body, 0)

    start(0, buf0, sem0)
    start(1, buf1, sem1)

    def pair_body(p, _):
        k = 2 * p
        wait(buf0, sem0)
        scan_chunk(buf0, k * ITERS_U, ITERS_U, 16)
        start(k + 2, buf0, sem0)
        wait(buf1, sem1)
        scan_chunk(buf1, (k + 1) * ITERS_U, ITERS_U, 16)

        @pl.when(p < (NUNI - 1) // 2 - 1)
        def _():
            start(k + 3, buf1, sem1)

        @pl.when(p == (NUNI - 1) // 2 - 1)
        def _():
            start(NUNI, buf1, sem1, width=SCTAIL)

        return 0

    lax.fori_loop(0, (NUNI - 1) // 2, pair_body, 0)

    wait(buf0, sem0)
    scan_chunk(buf0, (NUNI - 1) * ITERS_U, ITERS_U, 16)
    wait(buf1, sem1, width=SCTAIL)
    scan_chunk(buf1, NUNI * ITERS_U, ITERS_T, 8)

    for r in range(RPW):
        resc_ref[pl.ds(r * 16, 16)] = bj_ref[pl.ds(r * 16, 16)] * 16 + lane
        resv_ref[pl.ds(r * 16, 16)] = bv_ref[pl.ds(r * 16, 16)]
    pltpu.sync_copy(resc_ref, outc_hbm.at[pl.ds(wid * RPW * 16, RPW * 16)])
    pltpu.sync_copy(resv_ref, outv_hbm.at[pl.ds(wid * RPW * 16, RPW * 16)])


def _merge_body(tail_ref, vals_ref, cols_ref, out_ref):
    v = vals_ref[...]
    m = jnp.max(v, axis=1, keepdims=True)
    sci = jnp.min(jnp.where(v == m, cols_ref[...], BIG_I32),
                  axis=1, keepdims=True)
    tt = tail_ref[...][TC_ROWS:, :]
    col = jax.lax.broadcasted_iota(jnp.int32, (SC_ROWS, 128), 1) + SC_COLS
    ttm = jnp.where(col < VOCAB, tt, NEG_INF)
    tm = jnp.max(ttm, axis=1, keepdims=True)
    ti = jnp.min(jnp.where(ttm == tm, col, BIG_I32), axis=1, keepdims=True)
    better = tm > m
    out_ref[...] = jnp.where(better, ti, sci)


def _accept_body(ids_ref, draft_ref, out_ref):
    ids = ids_ref[...]
    draft = draft_ref[...]
    match = ids[:, :8] == draft
    j = jax.lax.broadcasted_iota(jnp.int32, (64, 8), 1)
    n = jnp.min(jnp.where(match, jnp.int32(8), j), axis=1, keepdims=True)
    p = jax.lax.broadcasted_iota(jnp.int32, (64, 9), 1)
    out_ref[...] = jnp.where(p <= n, ids, jnp.int32(-1))


@jax.jit
def kernel(draft_token_ids, target_probs):
    tc_idx = pl.pallas_call(
        _tc_argmax_body,
        grid=(NCHUNK,),
        in_specs=[pl.BlockSpec((TC_ROWS, CHUNK), lambda i: (0, i))],
        out_specs=pl.BlockSpec((TC_ROWS, 1), lambda i: (0, 0)),
        out_shape=jax.ShapeDtypeStruct((TC_ROWS, 1), jnp.int32),
        scratch_shapes=[
            pltpu.VMEM((TC_ROWS, 1), jnp.float32),
            pltpu.VMEM((TC_ROWS, 1), jnp.int32),
        ],
    )(target_probs)

    sc_cols, sc_vals = _sc_argmax(target_probs)
    sc_cols = sc_cols.reshape(SC_ROWS, 16)
    sc_vals = sc_vals.reshape(SC_ROWS, 16)

    merged = pl.pallas_call(
        _merge_body,
        grid=(1,),
        in_specs=[
            pl.BlockSpec((ROWS, 128), lambda i: (0, SC_COLS // 128)),
            pl.BlockSpec((SC_ROWS, 16), lambda i: (0, 0)),
            pl.BlockSpec((SC_ROWS, 16), lambda i: (0, 0)),
        ],
        out_specs=pl.BlockSpec((SC_ROWS, 1), lambda i: (0, 0)),
        out_shape=jax.ShapeDtypeStruct((SC_ROWS, 1), jnp.int32),
    )(target_probs, sc_vals, sc_cols)

    ids = jnp.concatenate(
        [tc_idx.reshape(TC_ROWS), merged.reshape(SC_ROWS)]).reshape(64, 9)
    out = pl.pallas_call(
        _accept_body,
        out_shape=jax.ShapeDtypeStruct((64, 9), jnp.int32),
    )(ids, draft_token_ids.astype(jnp.int32))
    return out.astype(jnp.int64)

# --- scband reference (transcript-rebuilt; emitter-appended) ---
"""Pipeline reference for scband-rejection-sampler-33895881900562 (READ-ONLY COPY).

The authoritative reference and input builder live on the scoring server;
editing this copy changes nothing except your own understanding.
"""

import jax, jax.numpy as jnp
import numpy as np

INVALID_TOKEN_ID = -1
B = 64
K = 8  # num draft (speculative) tokens per sequence; uniform lengths (ragged padded to equal)
VOCAB = 100000

def setup_inputs(seed: int = 0) -> dict:
    key = jax.random.key(seed)
    k1, k2 = jax.random.split(key)
    draft_token_ids = jax.random.randint(k1, (B, K), 0, VOCAB, dtype=jnp.int64)
    target_probs = jax.random.uniform(k2, (B * (K + 1), VOCAB), dtype=jnp.float32)
    return {"draft_token_ids": draft_token_ids, "target_probs": target_probs}

def reference(draft_token_ids, target_probs):
    # forward_native, all_greedy path of vLLM RejectionSampler
    b, k = draft_token_ids.shape
    # greedy target tokens: argmax over vocab, then reshape into [B, K+1]
    output_token_ids = jnp.argmax(target_probs, axis=-1).reshape(b, k + 1).astype(jnp.int64)
    # accept draft token i iff all previous draft tokens matched the target argmax
    accept_mask = jnp.cumprod((output_token_ids[:, :-1] == draft_token_ids).astype(jnp.int32), axis=1)
    valid_mask = output_token_ids != INVALID_TOKEN_ID
    generate_mask = jnp.concatenate([accept_mask, jnp.zeros((b, 1), dtype=jnp.int32)], axis=1).astype(bool) & valid_mask
    zeros_mask = ~generate_mask
    first_zero_idx = jnp.argmax(zeros_mask.astype(jnp.float32), axis=1)
    rows_with_zero = jnp.any(zeros_mask, axis=1)
    rows = jnp.arange(b)
    cur = generate_mask[rows, first_zero_idx]
    generate_mask = generate_mask.at[rows, first_zero_idx].set(jnp.where(rows_with_zero, True, cur))
    output_token_ids = jnp.where(generate_mask, output_token_ids, INVALID_TOKEN_ID)
    return output_token_ids

if __name__ == "__main__":
    import jax
    _d = setup_inputs()
    print(jax.jit(kernel)(*tuple(_d.values())))

</pallas_src>

<mosaic_0001>
#map = affine_map<(d0, d1) -> (0, 0)>
#map1 = affine_map<(d0, d1) -> (0)>
module attributes {stable_mosaic.version = 14 : i64} {
  func.func @_sc_argmax(%arg0: i32, %arg1: i32, %arg2: memref<576x100000xf32, #tpu.memory_space<hbm>>, %arg3: memref<4096xi32, #tpu.memory_space<hbm>>, %arg4: memref<4096xf32, #tpu.memory_space<hbm>>, %arg5: memref<8x6400xf32, #tpu.memory_space<vmem>>, %arg6: memref<8x6400xf32, #tpu.memory_space<vmem>>, %arg7: memref<128xf32, #tpu.memory_space<vmem>>, %arg8: memref<128xi32, #tpu.memory_space<vmem>>, %arg9: memref<128xi32, #tpu.memory_space<vmem>>, %arg10: memref<128xf32, #tpu.memory_space<vmem>>, %arg11: memref<!tpu.dma_semaphore, #tpu.memory_space<semaphore_mem>>, %arg12: memref<!tpu.dma_semaphore, #tpu.memory_space<semaphore_mem>>) attributes {dimension_semantics = [#tpu.dimension_semantics<core_parallel>, #tpu.dimension_semantics<subcore_parallel>], iteration_bounds = array<i64: 2, 16>, scalar_prefetch = 0 : i64, scratch_operands = 8 : i64, tpu.core_type = #tpu.core_type<sc_vector_subcore>, window_params = [{transform_indices = #map}, {transform_indices = #map1}, {transform_indices = #map1}]} {
    %mul3A = arith.constant 2 : i32
    %mul3A_0 = arith.muli %arg1, %mul3A : i32
    %add3A = arith.addi %mul3A_0, %arg0 : i32
    %iota3A = tpu.iota {dimensions = array<i32: 0>} : vector<16xi32>
    %mul3A_1 = arith.constant 8 : i32
    %mul3A_2 = arith.muli %add3A, %mul3A_1 : i32
    %add3A_3 = arith.constant 320 : i32
    %add3A_4 = arith.addi %add3A_3, %mul3A_2 : i32
    %scan3A = arith.constant 0 : i32
    %scan3A_5 = arith.constant 0 : i32
    %scan3A_6 = arith.constant 8 : i32
    %scan3A_7 = arith.addi %scan3A_5, %scan3A_6 : i32
    %scan3A_8 = arith.constant 1 : i32
    %scan3A_9 = scf.for %scan3A_219 = %scan3A_5 to %scan3A_7 step %scan3A_8 iter_args(%scan3A_220 = %scan3A) -> (i32)  : i32 {
      %broadcast_in_dim3A = arith.constant 0xFF800000 : f32
      %broadcast_in_dim3A_221 = vector.broadcast %broadcast_in_dim3A : f32 to vector<16xf32>
      %mul3A_222 = arith.constant 16 : i32
      %mul3A_223 = arith.muli %scan3A_219, %mul3A_222 : i32
      %swap3A_224 = arith.index_cast %mul3A_223 : i32 to index
      %swap3A_225 = tpu.vector_load %arg7[%swap3A_224] {strides = array<i32>} : memref<128xf32, #tpu.memory_space<vmem>>, vector<16xf32>,
      %swap3A_226 = vector.shape_cast %swap3A_225 : vector<16xf32> to vector<16xf32>
      %swap3A_227 = vector.shape_cast %broadcast_in_dim3A_221 : vector<16xf32> to vector<16xf32>
      tpu.vector_store %arg7[%swap3A_224], %swap3A_227 {strides = array<i32>} : memref<128xf32, #tpu.memory_space<vmem>>, vector<16xf32>,
      %broadcast_in_dim3A_228 = arith.constant 0 : i32
      %broadcast_in_dim3A_229 = vector.broadcast %broadcast_in_dim3A_228 : i32 to vector<16xi32>
      %mul3A_230 = arith.constant 16 : i32
      %mul3A_231 = arith.muli %scan3A_219, %mul3A_230 : i32
      %swap3A_232 = arith.index_cast %mul3A_231 : i32 to index
      %swap3A_233 = tpu.vector_load %arg8[%swap3A_232] {strides = array<i32>} : memref<128xi32, #tpu.memory_space<vmem>>, vector<16xi32>,
      %swap3A_234 = vector.shape_cast %swap3A_233 : vector<16xi32> to vector<16xi32>
      %swap3A_235 = vector.shape_cast %broadcast_in_dim3A_229 : vector<16xi32> to vector<16xi32>
      tpu.vector_store %arg8[%swap3A_232], %swap3A_235 {strides = array<i32>} : memref<128xi32, #tpu.memory_space<vmem>>, vector<16xi32>,
      %scan3A_236 = arith.constant 0 : i32
      scf.yield %scan3A_236 : i32
    }
    %scan3A_10 = arith.constant 8 : i32
    %multiple_of3A = arith.constant 0 : i32
    %multiple_of3A_11 = tpu.assume_multiple %multiple_of3A, 128 : i32
    %dma_start3A = arith.constant 0 : i32
    %dma_start3A_12 = arith.constant 0 : i32
    %dma_start3A_13 = tpu.memref_slice %arg5[%dma_start3A, %dma_start3A_12] : memref<8x6400xf32, #tpu.memory_space<vmem>> -> memref<8x6400xf32, #tpu.memory_space<vmem>>
    %dma_start3A_14 = tpu.memref_slice %arg2[%add3A_4, %multiple_of3A_11] : memref<576x100000xf32, #tpu.memory_space<hbm>> -> memref<8x6400xf32, #tpu.memory_space<hbm>>
    %dma_start3A_15 = arith.constant 0 : i32
    %dma_start3A_16 = arith.constant 0 : i32
    %dma_start3A_17 = tpu.memref_slice %arg5[%dma_start3A_15, %dma_start3A_16] : memref<8x6400xf32, #tpu.memory_space<vmem>> -> memref<8x6400xf32, #tpu.memory_space<vmem>>
    %dma_start3A_18 = tpu.memref_slice %arg2[%add3A_4, %multiple_of3A_11] : memref<576x100000xf32, #tpu.memory_space<hbm>> -> memref<8x6400xf32, #tpu.memory_space<hbm>>
    tpu.enqueue_dma source(%dma_start3A_18 : memref<8x6400xf32, #tpu.memory_space<hbm>>) target(%dma_start3A_17 : memref<8x6400xf32, #tpu.memory_space<vmem>>) target_semaphore(%arg11 : memref<!tpu.dma_semaphore, #tpu.memory_space<semaphore_mem>>)
    %multiple_of3A_19 = arith.constant 6400 : i32
    %multiple_of3A_20 = tpu.assume_multiple %multiple_of3A_19, 128 : i32
    %dma_start3A_21 = arith.constant 0 : i32
    %dma_start3A_22 = arith.constant 0 : i32
    %dma_start3A_23 = tpu.memref_slice %arg6[%dma_start3A_21, %dma_start3A_22] : memref<8x6400xf32, #tpu.memory_space<vmem>> -> memref<8x6400xf32, #tpu.memory_space<vmem>>
    %dma_start3A_24 = tpu.memref_slice %arg2[%add3A_4, %multiple_of3A_20] : memref<576x100000xf32, #tpu.memory_space<hbm>> -> memref<8x6400xf32, #tpu.memory_space<hbm>>
    %dma_start3A_25 = arith.constant 0 : i32
    %dma_start3A_26 = arith.constant 0 : i32
    %dma_start3A_27 = tpu.memref_slice %arg6[%dma_start3A_25, %dma_start3A_26] : memref<8x6400xf32, #tpu.memory_space<vmem>> -> memref<8x6400xf32, #tpu.memory_space<vmem>>
    %dma_start3A_28 = tpu.memref_slice %arg2[%add3A_4, %multiple_of3A_20] : memref<576x100000xf32, #tpu.memory_space<hbm>> -> memref<8x6400xf32, #tpu.memory_space<hbm>>
    tpu.enqueue_dma source(%dma_start3A_28 : memref<8x6400xf32, #tpu.memory_space<hbm>>) target(%dma_start3A_27 : memref<8x6400xf32, #tpu.memory_space<vmem>>) target_semaphore(%arg12 : memref<!tpu.dma_semaphore, #tpu.memory_space<semaphore_mem>>)
    %scan3A_29 = arith.constant 0 : i32
    %scan3A_30 = arith.constant 0 : i32
    %scan3A_31 = arith.constant 7 : i32
    %scan3A_32 = arith.addi %scan3A_30, %scan3A_31 : i32
    %scan3A_33 = arith.constant 1 : i32
    %scan3A_34 = scf.for %scan3A_219 = %scan3A_30 to %scan3A_32 step %scan3A_33 iter_args(%scan3A_220 = %scan3A_29) -> (i32)  : i32 {
      %mul3A_221 = arith.constant 2 : i32
      %mul3A_222 = arith.muli %mul3A_221, %scan3A_219 : i32
      %dma_wait3A_223 = arith.constant 0 : i32
      %dma_wait3A_224 = arith.constant 0 : i32
      %dma_wait3A_225 = tpu.memref_slice %arg5[%dma_wait3A_223, %dma_wait3A_224] : memref<8x6400xf32, #tpu.memory_space<vmem>> -> memref<8x6400xf32, #tpu.memory_space<vmem>>
      %dma_wait3A_226 = arith.constant 0 : i32
      %dma_wait3A_227 = tpu.memref_slice %arg2[%add3A_4, %dma_wait3A_226] : memref<576x100000xf32, #tpu.memory_space<hbm>> -> memref<8x6400xf32, #tpu.memory_space<hbm>>
      %dma_wait3A_228 = arith.constant 0 : i32
      %dma_wait3A_229 = arith.constant 0 : i32
      %dma_wait3A_230 = tpu.memref_slice %arg5[%dma_wait3A_228, %dma_wait3A_229] : memref<8x6400xf32, #tpu.memory_space<vmem>> -> memref<8x6400xf32, #tpu.memory_space<vmem>>
      %dma_wait3A_231 = arith.constant 0 : i32
      %dma_wait3A_232 = tpu.memref_slice %arg2[%add3A_4, %dma_wait3A_231] : memref<576x100000xf32, #tpu.memory_space<hbm>> -> memref<8x6400xf32, #tpu.memory_space<hbm>>
      tpu.wait_dma2 semaphore(%arg11 : memref<!tpu.dma_semaphore, #tpu.memory_space<semaphore_mem>>) src(%dma_wait3A_232 : memref<8x6400xf32, #tpu.memory_space<hbm>>) dst(%dma_wait3A_230 : memref<8x6400xf32, #tpu.memory_space<vmem>>)
      %mul3A_233 = arith.constant 400 : i32
      %mul3A_234 = arith.muli %mul3A_222, %mul3A_233 : i32
      %scan3A_235 = arith.constant 0 : i32
      %scan3A_236 = arith.constant 0 : i32
      %scan3A_237 = arith.constant 8 : i32
      %scan3A_238 = arith.addi %scan3A_236, %scan3A_237 : i32
      %scan3A_239 = arith.constant 1 : i32
      %scan3A_240 = scf.for %scan3A_283 = %scan3A_236 to %scan3A_238 step %scan3A_239 iter_args(%scan3A_284 = %scan3A_235) -> (i32)  : i32 {
        %mul3A_285 = arith.constant 16 : i32
        %mul3A_286 = arith.muli %scan3A_283, %mul3A_285 : i32
        %get3A_287 = arith.index_cast %mul3A_286 : i32 to index
        %get3A_288 = tpu.vector_load %arg7[%get3A_287] {strides = array<i32>} : memref<128xf32, #tpu.memory_space<vmem>>, vector<16xf32>,
        %get3A_289 = vector.shape_cast %get3A_288 : vector<16xf32> to vector<16xf32>
        %mul3A_290 = arith.constant 16 : i32
        %mul3A_291 = arith.muli %scan3A_283, %mul3A_290 : i32
        %get3A_292 = arith.index_cast %mul3A_291 : i32 to index
        %get3A_293 = tpu.vector_load %arg8[%get3A_292] {strides = array<i32>} : memref<128xi32, #tpu.memory_space<vmem>>, vector<16xi32>,
        %get3A_294 = vector.shape_cast %get3A_293 : vector<16xi32> to vector<16xi32>
        %scan3A_295 = arith.constant 0 : i32
        %scan3A_296 = arith.constant 25 : i32
        %scan3A_297 = arith.addi %scan3A_295, %scan3A_296 : i32
        %scan3A_298 = arith.constant 1 : i32
        %scan3A_299:2 = scf.for %scan3A_314 = %scan3A_295 to %scan3A_297 step %scan3A_298 iter_args(%scan3A_315 = %get3A_289, %scan3A_316 = %get3A_294) -> (vector<16xf32>, vector<16xi32>)  : i32 {
          %mul3A_317 = arith.constant 256 : i32
          %mul3A_318 = arith.muli %scan3A_314, %mul3A_317 : i32
          %add3A_319 = arith.constant 0 : i32
          %add3A_320 = arith.addi %mul3A_318, %add3A_319 : i32
          %get3A_321 = arith.index_cast %scan3A_283 : i32 to index
          %get3A_322 = arith.index_cast %add3A_320 : i32 to index
          %get3A_323 = tpu.vector_load %arg5[%get3A_321, %get3A_322] {strides = array<i32>} : memref<8x6400xf32, #tpu.memory_space<vmem>>, vector<1x16xf32>,
          %get3A_324 = vector.shape_cast %get3A_323 : vector<1x16xf32> to vector<16xf32>
          %gt3A = arith.cmpf ogt, %get3A_324, %scan3A_315 : vector<16xf32>
          %select_n3A = arith.select %gt3A, %get3A_324, %scan3A_315 : vector<16xi1>, vector<16xf32>
          %mul3A_325 = arith.constant 16 : i32
          %mul3A_326 = arith.muli %scan3A_314, %mul3A_325 : i32
          %add3A_327 = arith.addi %mul3A_234, %mul3A_326 : i32
          %add3A_328 = arith.constant 0 : i32
          %add3A_329 = arith.addi %add3A_327, %add3A_328 : i32
          %broadcast_in_dim3A = vector.broadcast %add3A_329 : i32 to vector<16xi32>
          %select_n3A_330 = arith.select %gt3A, %broadcast_in_dim3A, %scan3A_316 : vector<16xi1>, vector<16xi32>
          %mul3A_331 = arith.constant 256 : i32
          %mul3A_332 = arith.muli %scan3A_314, %mul3A_331 : i32
          %add3A_333 = arith.constant 16 : i32
          %add3A_334 = arith.addi %mul3A_332, %add3A_333 : i32
          %get3A_335 = arith.index_cast %scan3A_283 : i32 to index
          %get3A_336 = arith.index_cast %add3A_334 : i32 to index
          %get3A_337 = tpu.vector_load %arg5[%get3A_335, %get3A_336] {strides = array<i32>} : memref<8x6400xf32, #tpu.memory_space<vmem>>, vector<1x16xf32>,
          %get3A_338 = vector.shape_cast %get3A_337 : vector<1x16xf32> to vector<16xf32>
          %gt3A_339 = arith.cmpf ogt, %get3A_338, %select_n3A : vector<16xf32>
          %select_n3A_340 = arith.select %gt3A_339, %get3A_338, %select_n3A : vector<16xi1>, vector<16xf32>
          %mul3A_341 = arith.constant 16 : i32
          %mul3A_342 = arith.muli %scan3A_314, %mul3A_341 : i32
          %add3A_343 = arith.addi %mul3A_234, %mul3A_342 : i32
          %add3A_344 = arith.constant 1 : i32
          %add3A_345 = arith.addi %add3A_343, %add3A_344 : i32
          %broadcast_in_dim3A_346 = vector.broadcast %add3A_345 : i32 to vector<16xi32>
          %select_n3A_347 = arith.select %gt3A_339, %broadcast_in_dim3A_346, %select_n3A_330 : vector<16xi1>, vector<16xi32>
          %mul3A_348 = arith.constant 256 : i32
          %mul3A_349 = arith.muli %scan3A_314, %mul3A_348 : i32
          %add3A_350 = arith.constant 32 : i32
          %add3A_351 = arith.addi %mul3A_349, %add3A_350 : i32
          %get3A_352 = arith.index_cast %scan3A_283 : i32 to index
          %get3A_353 = arith.index_cast %add3A_351 : i32 to index
          %get3A_354 = tpu.vector_load %arg5[%get3A_352, %get3A_353] {strides = array<i32>} : memref<8x6400xf32, #tpu.memory_space<vmem>>, vector<1x16xf32>,
          %get3A_355 = vector.shape_cast %get3A_354 : vector<1x16xf32> to vector<16xf32>
          %gt3A_356 = arith.cmpf ogt, %get3A_355, %select_n3A_340 : vector<16xf32>
          %select_n3A_357 = arith.select %gt3A_356, %get3A_355, %select_n3A_340 : vector<16xi1>, vector<16xf32>
          %mul3A_358 = arith.constant 16 : i32
          %mul3A_359 = arith.muli %scan3A_314, %mul3A_358 : i32
          %add3A_360 = arith.addi %mul3A_234, %mul3A_359 : i32
          %add3A_361 = arith.constant 2 : i32
          %add3A_362 = arith.addi %add3A_360, %add3A_361 : i32
          %broadcast_in_dim3A_363 = vector.broadcast %add3A_362 : i32 to vector<16xi32>
          %select_n3A_364 = arith.select %gt3A_356, %broadcast_in_dim3A_363, %select_n3A_347 : vector<16xi1>, vector<16xi32>
          %mul3A_365 = arith.constant 256 : i32
          %mul3A_366 = arith.muli %scan3A_314, %mul3A_365 : i32
          %add3A_367 = arith.constant 48 : i32
          %add3A_368 = arith.addi %mul3A_366, %add3A_367 : i32
          %get3A_369 = arith.index_cast %scan3A_283 : i32 to index
          %get3A_370 = arith.index_cast %add3A_368 : i32 to index
          %get3A_371 = tpu.vector_load %arg5[%get3A_369, %get3A_370] {strides = array<i32>} : memref<8x6400xf32, #tpu.memory_space<vmem>>, vector<1x16xf32>,
          %get3A_372 = vector.shape_cast %get3A_371 : vector<1x16xf32> to vector<16xf32>
          %gt3A_373 = arith.cmpf ogt, %get3A_372, %select_n3A_357 : vector<16xf32>
          %select_n3A_374 = arith.select %gt3A_373, %get3A_372, %select_n3A_357 : vector<16xi1>, vector<16xf32>
          %mul3A_375 = arith.constant 16 : i32
          %mul3A_376 = arith.muli %scan3A_314, %mul3A_375 : i32
          %add3A_377 = arith.addi %mul3A_234, %mul3A_376 : i32
          %add3A_378 = arith.constant 3 : i32
          %add3A_379 = arith.addi %add3A_377, %add3A_378 : i32
          %broadcast_in_dim3A_380 = vector.broadcast %add3A_379 : i32 to vector<16xi32>
          %select_n3A_381 = arith.select %gt3A_373, %broadcast_in_dim3A_380, %select_n3A_364 : vector<16xi1>, vector<16xi32>
          %mul3A_382 = arith.constant 256 : i32
          %mul3A_383 = arith.muli %scan3A_314, %mul3A_382 : i32
          %add3A_384 = arith.constant 64 : i32
          %add3A_385 = arith.addi %mul3A_383, %add3A_384 : i32
          %get3A_386 = arith.index_cast %scan3A_283 : i32 to index
          %get3A_387 = arith.index_cast %add3A_385 : i32 to index
          %get3A_388 = tpu.vector_load %arg5[%get3A_386, %get3A_387] {strides = array<i32>} : memref<8x6400xf32, #tpu.memory_space<vmem>>, vector<1x16xf32>,
          %get3A_389 = vector.shape_cast %get3A_388 : vector<1x16xf32> to vector<16xf32>
          %gt3A_390 = arith.cmpf ogt, %get3A_389, %select_n3A_374 : vector<16xf32>
          %select_n3A_391 = arith.select %gt3A_390, %get3A_389, %select_n3A_374 : vector<16xi1>, vector<16xf32>
          %mul3A_392 = arith.constant 16 : i32
          %mul3A_393 = arith.muli %scan3A_314, %mul3A_392 : i32
          %add3A_394 = arith.addi %mul3A_234, %mul3A_393 : i32
          %add3A_395 = arith.constant 4 : i32
          %add3A_396 = arith.addi %add3A_394, %add3A_395 : i32
          %broadcast_in_dim3A_397 = vector.broadcast %add3A_396 : i32 to vector<16xi32>
          %select_n3A_398 = arith.select %gt3A_390, %broadcast_in_dim3A_397, %select_n3A_381 : vector<16xi1>, vector<16xi32>
          %mul3A_399 = arith.constant 256 : i32
          %mul3A_400 = arith.muli %scan3A_314, %mul3A_399 : i32
          %add3A_401 = arith.constant 80 : i32
          %add3A_402 = arith.addi %mul3A_400, %add3A_401 : i32
          %get3A_403 = arith.index_cast %scan3A_283 : i32 to index
          %get3A_404 = arith.index_cast %add3A_402 : i32 to index
          %get3A_405 = tpu.vector_load %arg5[%get3A_403, %get3A_404] {strides = array<i32>} : memref<8x6400xf32, #tpu.memory_space<vmem>>, vector<1x16xf32>,
          %get3A_406 = vector.shape_cast %get3A_405 : vector<1x16xf32> to vector<16xf32>
          %gt3A_407 = arith.cmpf ogt, %get3A_406, %select_n3A_391 : vector<16xf32>
          %select_n3A_408 = arith.select %gt3A_407, %get3A_406, %select_n3A_391 : vector<16xi1>, vector<16xf32>
          %mul3A_409 = arith.constant 16 : i32
          %mul3A_410 = arith.muli %scan3A_314, %mul3A_409 : i32
          %add3A_411 = arith.addi %mul3A_234, %mul3A_410 : i32
          %add3A_412 = arith.constant 5 : i32
          %add3A_413 = arith.addi %add3A_411, %add3A_412 : i32
          %broadcast_in_dim3A_414 = vector.broadcast %add3A_413 : i32 to vector<16xi32>
          %select_n3A_415 = arith.select %gt3A_407, %broadcast_in_dim3A_414, %select_n3A_398 : vector<16xi1>, vector<16xi32>
          %mul3A_416 = arith.constant 256 : i32
          %mul3A_417 = arith.muli %scan3A_314, %mul3A_416 : i32
          %add3A_418 = arith.constant 96 : i32
          %add3A_419 = arith.addi %mul3A_417, %add3A_418 : i32
          %get3A_420 = arith.index_cast %scan3A_283 : i32 to index
          %get3A_421 = arith.index_cast %add3A_419 : i32 to index
          %get3A_422 = tpu.vector_load %arg5[%get3A_420, %get3A_421] {strides = array<i32>} : memref<8x6400xf32, #tpu.memory_space<vmem>>, vector<1x16xf32>,
          %get3A_423 = vector.shape_cast %get3A_422 : vector<1x16xf32> to vector<16xf32>
          %gt3A_424 = arith.cmpf ogt, %get3A_423, %select_n3A_408 : vector<16xf32>
          %select_n3A_425 = arith.select %gt3A_424, %get3A_423, %select_n3A_408 : vector<16xi1>, vector<16xf32>
          %mul3A_426 = arith.constant 16 : i32
          %mul3A_427 = arith.muli %scan3A_314, %mul3A_426 : i32
          %add3A_428 = arith.addi %mul3A_234, %mul3A_427 : i32
          %add3A_429 = arith.constant 6 : i32
          %add3A_430 = arith.addi %add3A_428, %add3A_429 : i32
          %broadcast_in_dim3A_431 = vector.broadcast %add3A_430 : i32 to vector<16xi32>
          %select_n3A_432 = arith.select %gt3A_424, %broadcast_in_dim3A_431, %select_n3A_415 : vector<16xi1>, vector<16xi32>
          %mul3A_433 = arith.constant 256 : i32
          %mul3A_434 = arith.muli %scan3A_314, %mul3A_433 : i32
          %add3A_435 = arith.constant 112 : i32
          %add3A_436 = arith.addi %mul3A_434, %add3A_435 : i32
          %get3A_437 = arith.index_cast %scan3A_283 : i32 to index
          %get3A_438 = arith.index_cast %add3A_436 : i32 to index
          %get3A_439 = tpu.vector_load %arg5[%get3A_437, %get3A_438] {strides = array<i32>} : memref<8x6400xf32, #tpu.memory_space<vmem>>, vector<1x16xf32>,
          %get3A_440 = vector.shape_cast %get3A_439 : vector<1x16xf32> to vector<16xf32>
          %gt3A_441 = arith.cmpf ogt, %get3A_440, %select_n3A_425 : vector<16xf32>
          %select_n3A_442 = arith.select %gt3A_441, %get3A_440, %select_n3A_425 : vector<16xi1>, vector<16xf32>
          %mul3A_443 = arith.constant 16 : i32
          %mul3A_444 = arith.muli %scan3A_314, %mul3A_443 : i32
          %add3A_445 = arith.addi %mul3A_234, %mul3A_444 : i32
          %add3A_446 = arith.constant 7 : i32
          %add3A_447 = arith.addi %add3A_445, %add3A_446 : i32
          %broadcast_in_dim3A_448 = vector.broadcast %add3A_447 : i32 to vector<16xi32>
          %select_n3A_449 = arith.select %gt3A_441, %broadcast_in_dim3A_448, %select_n3A_432 : vector<16xi1>, vector<16xi32>
          %mul3A_450 = arith.constant 256 : i32
          %mul3A_451 = arith.muli %scan3A_314, %mul3A_450 : i32
          %add3A_452 = arith.constant 128 : i32
          %add3A_453 = arith.addi %mul3A_451, %add3A_452 : i32
          %get3A_454 = arith.index_cast %scan3A_283 : i32 to index
          %get3A_455 = arith.index_cast %add3A_453 : i32 to index
          %get3A_456 = tpu.vector_load %arg5[%get3A_454, %get3A_455] {strides = array<i32>} : memref<8x6400xf32, #tpu.memory_space<vmem>>, vector<1x16xf32>,
          %get3A_457 = vector.shape_cast %get3A_456 : vector<1x16xf32> to vector<16xf32>
          %gt3A_458 = arith.cmpf ogt, %get3A_457, %select_n3A_442 : vector<16xf32>
          %select_n3A_459 = arith.select %gt3A_458, %get3A_457, %select_n3A_442 : vector<16xi1>, vector<16xf32>
          %mul3A_460 = arith.constant 16 : i32
          %mul3A_461 = arith.muli %scan3A_314, %mul3A_460 : i32
          %add3A_462 = arith.addi %mul3A_234, %mul3A_461 : i32
          %add3A_463 = arith.constant 8 : i32
          %add3A_464 = arith.addi %add3A_462, %add3A_463 : i32
          %broadcast_in_dim3A_465 = vector.broadcast %add3A_464 : i32 to vector<16xi32>
          %select_n3A_466 = arith.select %gt3A_458, %broadcast_in_dim3A_465, %select_n3A_449 : vector<16xi1>, vector<16xi32>
          %mul3A_467 = arith.constant 256 : i32
          %mul3A_468 = arith.muli %scan3A_314, %mul3A_467 : i32
          %add3A_469 = arith.constant 144 : i32
          %add3A_470 = arith.addi %mul3A_468, %add3A_469 : i32
          %get3A_471 = arith.index_cast %scan3A_283 : i32 to index
          %get3A_472 = arith.index_cast %add3A_470 : i32 to index
          %get3A_473 = tpu.vector_load %arg5[%get3A_471, %get3A_472] {strides = array<i32>} : memref<8x6400xf32, #tpu.memory_space<vmem>>, vector<1x16xf32>,
          %get3A_474 = vector.shape_cast %get3A_473 : vector<1x16xf32> to vector<16xf32>
          %gt3A_475 = arith.cmpf ogt, %get3A_474, %select_n3A_459 : vector<16xf32>
          %select_n3A_476 = arith.select %gt3A_475, %get3A_474, %select_n3A_459 : vector<16xi1>, vector<16xf32>
          %mul3A_477 = arith.constant 16 : i32
          %mul3A_478 = arith.muli %scan3A_314, %mul3A_477 : i32
          %add3A_479 = arith.addi %mul3A_234, %mul3A_478 : i32
          %add3A_480 = arith.constant 9 : i32
          %add3A_481 = arith.addi %add3A_479, %add3A_480 : i32
          %broadcast_in_dim3A_482 = vector.broadcast %add3A_481 : i32 to vector<16xi32>
          %select_n3A_483 = arith.select %gt3A_475, %broadcast_in_dim3A_482, %select_n3A_466 : vector<16xi1>, vector<16xi32>
          %mul3A_484 = arith.constant 256 : i32
          %mul3A_485 = arith.muli %scan3A_314, %mul3A_484 : i32
          %add3A_486 = arith.constant 160 : i32
          %add3A_487 = arith.addi %mul3A_485, %add3A_486 : i32
          %get3A_488 = arith.index_cast %scan3A_283 : i32 to index
          %get3A_489 = arith.index_cast %add3A_487 : i32 to index
          %get3A_490 = tpu.vector_load %arg5[%get3A_488, %get3A_489] {strides = array<i32>} : memref<8x6400xf32, #tpu.memory_space<vmem>>, vector<1x16xf32>,
          %get3A_491 = vector.shape_cast %get3A_490 : vector<1x16xf32> to vector<16xf32>
          %gt3A_492 = arith.cmpf ogt, %get3A_491, %select_n3A_476 : vector<16xf32>
          %select_n3A_493 = arith.select %gt3A_492, %get3A_491, %select_n3A_476 : vector<16xi1>, vector<16xf32>
          %mul3A_494 = arith.constant 16 : i32
          %mul3A_495 = arith.muli %scan3A_314, %mul3A_494 : i32
          %add3A_496 = arith.addi %mul3A_234, %mul3A_495 : i32
          %add3A_497 = arith.constant 10 : i32
          %add3A_498 = arith.addi %add3A_496, %add3A_497 : i32
          %broadcast_in_dim3A_499 = vector.broadcast %add3A_498 : i32 to vector<16xi32>
          %select_n3A_500 = arith.select %gt3A_492, %broadcast_in_dim3A_499, %select_n3A_483 : vector<16xi1>, vector<16xi32>
          %mul3A_501 = arith.constant 256 : i32
          %mul3A_502 = arith.muli %scan3A_314, %mul3A_501 : i32
          %add3A_503 = arith.constant 176 : i32
          %add3A_504 = arith.addi %mul3A_502, %add3A_503 : i32
          %get3A_505 = arith.index_cast %scan3A_283 : i32 to index
          %get3A_506 = arith.index_cast %add3A_504 : i32 to index
          %get3A_507 = tpu.vector_load %arg5[%get3A_505, %get3A_506] {strides = array<i32>} : memref<8x6400xf32, #tpu.memory_space<vmem>>, vector<1x16xf32>,
          %get3A_508 = vector.shape_cast %get3A_507 : vector<1x16xf32> to vector<16xf32>
          %gt3A_509 = arith.cmpf ogt, %get3A_508, %select_n3A_493 : vector<16xf32>
          %select_n3A_510 = arith.select %gt3A_509, %get3A_508, %select_n3A_493 : vector<16xi1>, vector<16xf32>
          %mul3A_511 = arith.constant 16 : i32
          %mul3A_512 = arith.muli %scan3A_314, %mul3A_511 : i32
          %add3A_513 = arith.addi %mul3A_234, %mul3A_512 : i32
          %add3A_514 = arith.constant 11 : i32
          %add3A_515 = arith.addi %add3A_513, %add3A_514 : i32
          %broadcast_in_dim3A_516 = vector.broadcast %add3A_515 : i32 to vector<16xi32>
          %select_n3A_517 = arith.select %gt3A_509, %broadcast_in_dim3A_516, %select_n3A_500 : vector<16xi1>, vector<16xi32>
          %mul3A_518 = arith.constant 256 : i32
          %mul3A_519 = arith.muli %scan3A_314, %mul3A_518 : i32
          %add3A_520 = arith.constant 192 : i32
          %add3A_521 = arith.addi %mul3A_519, %add3A_520 : i32
          %get3A_522 = arith.index_cast %scan3A_283 : i32 to index
          %get3A_523 = arith.index_cast %add3A_521 : i32 to index
          %get3A_524 = tpu.vector_load %arg5[%get3A_522, %get3A_523] {strides = array<i32>} : memref<8x6400xf32, #tpu.memory_space<vmem>>, vector<1x16xf32>,
          %get3A_525 = vector.shape_cast %get3A_524 : vector<1x16xf32> to vector<16xf32>
          %gt3A_526 = arith.cmpf ogt, %get3A_525, %select_n3A_510 : vector<16xf32>
          %select_n3A_527 = arith.select %gt3A_526, %get3A_525, %select_n3A_510 : vector<16xi1>, vector<16xf32>
          %mul3A_528 = arith.constant 16 : i32
          %mul3A_529 = arith.muli %scan3A_314, %mul3A_528 : i32
          %add3A_530 = arith.addi %mul3A_234, %mul3A_529 : i32
          %add3A_531 = arith.constant 12 : i32
          %add3A_532 = arith.addi %add3A_530, %add3A_531 : i32
          %broadcast_in_dim3A_533 = vector.broadcast %add3A_532 : i32 to vector<16xi32>
          %select_n3A_534 = arith.select %gt3A_526, %broadcast_in_dim3A_533, %select_n3A_517 : vector<16xi1>, vector<16xi32>
          %mul3A_535 = arith.constant 256 : i32
          %mul3A_536 = arith.muli %scan3A_314, %mul3A_535 : i32
          %add3A_537 = arith.constant 208 : i32
          %add3A_538 = arith.addi %mul3A_536, %add3A_537 : i32
          %get3A_539 = arith.index_cast %scan3A_283 : i32 to index
          %get3A_540 = arith.index_cast %add3A_538 : i32 to index
          %get3A_541 = tpu.vector_load %arg5[%get3A_539, %get3A_540] {strides = array<i32>} : memref<8x6400xf32, #tpu.memory_space<vmem>>, vector<1x16xf32>,
          %get3A_542 = vector.shape_cast %get3A_541 : vector<1x16xf32> to vector<16xf32>
          %gt3A_543 = arith.cmpf ogt, %get3A_542, %select_n3A_527 : vector<16xf32>
          %select_n3A_544 = arith.select %gt3A_543, %get3A_542, %select_n3A_527 : vector<16xi1>, vector<16xf32>
          %mul3A_545 = arith.constant 16 : i32
          %mul3A_546 = arith.muli %scan3A_314, %mul3A_545 : i32
          %add3A_547 = arith.addi %mul3A_234, %mul3A_546 : i32
          %add3A_548 = arith.constant 13 : i32
          %add3A_549 = arith.addi %add3A_547, %add3A_548 : i32
          %broadcast_in_dim3A_550 = vector.broadcast %add3A_549 : i32 to vector<16xi32>
          %select_n3A_551 = arith.select %gt3A_543, %broadcast_in_dim3A_550, %select_n3A_534 : vector<16xi1>, vector<16xi32>
          %mul3A_552 = arith.constant 256 : i32
          %mul3A_553 = arith.muli %scan3A_314, %mul3A_552 : i32
          %add3A_554 = arith.constant 224 : i32
          %add3A_555 = arith.addi %mul3A_553, %add3A_554 : i32
          %get3A_556 = arith.index_cast %scan3A_283 : i32 to index
          %get3A_557 = arith.index_cast %add3A_555 : i32 to index
          %get3A_558 = tpu.vector_load %arg5[%get3A_556, %get3A_557] {strides = array<i32>} : memref<8x6400xf32, #tpu.memory_space<vmem>>, vector<1x16xf32>,
          %get3A_559 = vector.shape_cast %get3A_558 : vector<1x16xf32> to vector<16xf32>
          %gt3A_560 = arith.cmpf ogt, %get3A_559, %select_n3A_544 : vector<16xf32>
          %select_n3A_561 = arith.select %gt3A_560, %get3A_559, %select_n3A_544 : vector<16xi1>, vector<16xf32>
          %mul3A_562 = arith.constant 16 : i32
          %mul3A_563 = arith.muli %scan3A_314, %mul3A_562 : i32
          %add3A_564 = arith.addi %mul3A_234, %mul3A_563 : i32
          %add3A_565 = arith.constant 14 : i32
          %add3A_566 = arith.addi %add3A_564, %add3A_565 : i32
          %broadcast_in_dim3A_567 = vector.broadcast %add3A_566 : i32 to vector<16xi32>
          %select_n3A_568 = arith.select %gt3A_560, %broadcast_in_dim3A_567, %select_n3A_551 : vector<16xi1>, vector<16xi32>
          %mul3A_569 = arith.constant 256 : i32
          %mul3A_570 = arith.muli %scan3A_314, %mul3A_569 : i32
          %add3A_571 = arith.constant 240 : i32
          %add3A_572 = arith.addi %mul3A_570, %add3A_571 : i32
          %get3A_573 = arith.index_cast %scan3A_283 : i32 to index
          %get3A_574 = arith.index_cast %add3A_572 : i32 to index
          %get3A_575 = tpu.vector_load %arg5[%get3A_573, %get3A_574] {strides = array<i32>} : memref<8x6400xf32, #tpu.memory_space<vmem>>, vector<1x16xf32>,
          %get3A_576 = vector.shape_cast %get3A_575 : vector<1x16xf32> to vector<16xf32>
          %gt3A_577 = arith.cmpf ogt, %get3A_576, %select_n3A_561 : vector<16xf32>
          %select_n3A_578 = arith.select %gt3A_577, %get3A_576, %select_n3A_561 : vector<16xi1>, vector<16xf32>
          %mul3A_579 = arith.constant 16 : i32
          %mul3A_580 = arith.muli %scan3A_314, %mul3A_579 : i32
          %add3A_581 = arith.addi %mul3A_234, %mul3A_580 : i32
          %add3A_582 = arith.constant 15 : i32
          %add3A_583 = arith.addi %add3A_581, %add3A_582 : i32
          %broadcast_in_dim3A_584 = vector.broadcast %add3A_583 : i32 to vector<16xi32>
          %select_n3A_585 = arith.select %gt3A_577, %broadcast_in_dim3A_584, %select_n3A_568 : vector<16xi1>, vector<16xi32>
          scf.yield %select_n3A_578, %select_n3A_585 : vector<16xf32>, vector<16xi32>
        }
        %scan3A_300 = arith.constant 25 : i32
        %mul3A_301 = arith.constant 16 : i32
        %mul3A_302 = arith.muli %scan3A_283, %mul3A_301 : i32
        %swap3A_303 = arith.index_cast %mul3A_302 : i32 to index
        %swap3A_304 = tpu.vector_load %arg7[%swap3A_303] {strides = array<i32>} : memref<128xf32, #tpu.memory_space<vmem>>, vector<16xf32>,
        %swap3A_305 = vector.shape_cast %swap3A_304 : vector<16xf32> to vector<16xf32>
        %swap3A_306 = vector.shape_cast %scan3A_299#0 : vector<16xf32> to vector<16xf32>
        tpu.vector_store %arg7[%swap3A_303], %swap3A_306 {strides = array<i32>} : memref<128xf32, #tpu.memory_space<vmem>>, vector<16xf32>,
        %mul3A_307 = arith.constant 16 : i32
        %mul3A_308 = arith.muli %scan3A_283, %mul3A_307 : i32
        %swap3A_309 = arith.index_cast %mul3A_308 : i32 to index
        %swap3A_310 = tpu.vector_load %arg8[%swap3A_309] {strides = array<i32>} : memref<128xi32, #tpu.memory_space<vmem>>, vector<16xi32>,
        %swap3A_311 = vector.shape_cast %swap3A_310 : vector<16xi32> to vector<16xi32>
        %swap3A_312 = vector.shape_cast %scan3A_299#1 : vector<16xi32> to vector<16xi32>
        tpu.vector_store %arg8[%swap3A_309], %swap3A_312 {strides = array<i32>} : memref<128xi32, #tpu.memory_space<vmem>>, vector<16xi32>,
        %scan3A_313 = arith.constant 0 : i32
        scf.yield %scan3A_313 : i32
      }
      %scan3A_241 = arith.constant 8 : i32
      %add3A_242 = arith.constant 2 : i32
      %add3A_243 = arith.addi %mul3A_222, %add3A_242 : i32
      %mul3A_244 = arith.constant 6400 : i32
      %mul3A_245 = arith.muli %add3A_243, %mul3A_244 : i32
      %multiple_of3A_246 = tpu.assume_multiple %mul3A_245, 128 : i32
      %dma_start3A_247 = arith.constant 0 : i32
      %dma_start3A_248 = arith.constant 0 : i32
      %dma_start3A_249 = tpu.memref_slice %arg5[%dma_start3A_247, %dma_start3A_248] : memref<8x6400xf32, #tpu.memory_space<vmem>> -> memref<8x6400xf32, #tpu.memory_space<vmem>>
      %dma_start3A_250 = tpu.memref_slice %arg2[%add3A_4, %multiple_of3A_246] : memref<576x100000xf32, #tpu.memory_space<hbm>> -> memref<8x6400xf32, #tpu.memory_space<hbm>>
      %dma_start3A_251 = arith.constant 0 : i32
      %dma_start3A_252 = arith.constant 0 : i32
      %dma_start3A_253 = tpu.memref_slice %arg5[%dma_start3A_251, %dma_start3A_252] : memref<8x6400xf32, #tpu.memory_space<vmem>> -> memref<8x6400xf32, #tpu.memory_space<vmem>>
      %dma_start3A_254 = tpu.memref_slice %arg2[%add3A_4, %multiple_of3A_246] : memref<576x100000xf32, #tpu.memory_space<hbm>> -> memref<8x6400xf32, #tpu.memory_space<hbm>>
      tpu.enqueue_dma source(%dma_start3A_254 : memref<8x6400xf32, #tpu.memory_space<hbm>>) target(%dma_start3A_253 : memref<8x6400xf32, #tpu.memory_space<vmem>>) target_semaphore(%arg11 : memref<!tpu.dma_semaphore, #tpu.memory_space<semaphore_mem>>)
      %dma_wait3A_255 = arith.constant 0 : i32
      %dma_wait3A_256 = arith.constant 0 : i32
      %dma_wait3A_257 = tpu.memref_slice %arg6[%dma_wait3A_255, %dma_wait3A_256] : memref<8x6400xf32, #tpu.memory_space<vmem>> -> memref<8x6400xf32, #tpu.memory_space<vmem>>
      %dma_wait3A_258 = arith.constant 0 : i32
      %dma_wait3A_259 = tpu.memref_slice %arg2[%add3A_4, %dma_wait3A_258] : memref<576x100000xf32, #tpu.memory_space<hbm>> -> memref<8x6400xf32, #tpu.memory_space<hbm>>
      %dma_wait3A_260 = arith.constant 0 : i32
      %dma_wait3A_261 = arith.constant 0 : i32
      %dma_wait3A_262 = tpu.memref_slice %arg6[%dma_wait3A_260, %dma_wait3A_261] : memref<8x6400xf32, #tpu.memory_space<vmem>> -> memref<8x6400xf32, #tpu.memory_space<vmem>>
      %dma_wait3A_263 = arith.constant 0 : i32
      %dma_wait3A_264 = tpu.memref_slice %arg2[%add3A_4, %dma_wait3A_263] : memref<576x100000xf32, #tpu.memory_space<hbm>> -> memref<8x6400xf32, #tpu.memory_space<hbm>>
      tpu.wait_dma2 semaphore(%arg12 : memref<!tpu.dma_semaphore, #tpu.memory_space<semaphore_mem>>) src(%dma_wait3A_264 : memref<8x6400xf32, #tpu.memory_space<hbm>>) dst(%dma_wait3A_262 : memref<8x6400xf32, #tpu.memory_space<vmem>>)
      %add3A_265 = arith.constant 1 : i32
      %add3A_266 = arith.addi %mul3A_222, %add3A_265 : i32
      %mul3A_267 = arith.constant 400 : i32
      %mul3A_268 = arith.muli %add3A_266, %mul3A_267 : i32
      %scan3A_269 = arith.constant 0 : i32
      %scan3A_270 = arith.constant 0 : i32
      %scan3A_271 = arith.constant 8 : i32
      %scan3A_272 = arith.addi %scan3A_270, %scan3A_271 : i32
      %scan3A_273 = arith.constant 1 : i32
      %scan3A_274 = scf.for %scan3A_283 = %scan3A_270 to %scan3A_272 step %scan3A_273 iter_args(%scan3A_284 = %scan3A_269) -> (i32)  : i32 {
        %mul3A_285 = arith.constant 16 : i32
        %mul3A_286 = arith.muli %scan3A_283, %mul3A_285 : i32
        %get3A_287 = arith.index_cast %mul3A_286 : i32 to index
        %get3A_288 = tpu.vector_load %arg7[%get3A_287] {strides = array<i32>} : memref<128xf32, #tpu.memory_space<vmem>>, vector<16xf32>,
        %get3A_289 = vector.shape_cast %get3A_288 : vector<16xf32> to vector<16xf32>
        %mul3A_290 = arith.constant 16 : i32
        %mul3A_291 = arith.muli %scan3A_283, %mul3A_290 : i32
        %get3A_292 = arith.index_cast %mul3A_291 : i32 to index
        %get3A_293 = tpu.vector_load %arg8[%get3A_292] {strides = array<i32>} : memref<128xi32, #tpu.memory_space<vmem>>, vector<16xi32>,
        %get3A_294 = vector.shape_cast %get3A_293 : vector<16xi32> to vector<16xi32>
        %scan3A_295 = arith.constant 0 : i32
        %scan3A_296 = arith.constant 25 : i32
        %scan3A_297 = arith.addi %scan3A_295, %scan3A_296 : i32
        %scan3A_298 = arith.constant 1 : i32
        %scan3A_299:2 = scf.for %scan3A_314 = %scan3A_295 to %scan3A_297 step %scan3A_298 iter_args(%scan3A_315 = %get3A_289, %scan3A_316 = %get3A_294) -> (vector<16xf32>, vector<16xi32>)  : i32 {
          %mul3A_317 = arith.constant 256 : i32
          %mul3A_318 = arith.muli %scan3A_314, %mul3A_317 : i32
          %add3A_319 = arith.constant 0 : i32
          %add3A_320 = arith.addi %mul3A_318, %add3A_319 : i32
          %get3A_321 = arith.index_cast %scan3A_283 : i32 to index
          %get3A_322 = arith.index_cast %add3A_320 : i32 to index
          %get3A_323 = tpu.vector_load %arg6[%get3A_321, %get3A_322] {strides = array<i32>} : memref<8x6400xf32, #tpu.memory_space<vmem>>, vector<1x16xf32>,
          %get3A_324 = vector.shape_cast %get3A_323 : vector<1x16xf32> to vector<16xf32>
          %gt3A = arith.cmpf ogt, %get3A_324, %scan3A_315 : vector<16xf32>
          %select_n3A = arith.select %gt3A, %get3A_324, %scan3A_315 : vector<16xi1>, vector<16xf32>
          %mul3A_325 = arith.constant 16 : i32
          %mul3A_326 = arith.muli %scan3A_314, %mul3A_325 : i32
          %add3A_327 = arith.addi %mul3A_268, %mul3A_326 : i32
          %add3A_328 = arith.constant 0 : i32
          %add3A_329 = arith.addi %add3A_327, %add3A_328 : i32
          %broadcast_in_dim3A = vector.broadcast %add3A_329 : i32 to vector<16xi32>
          %select_n3A_330 = arith.select %gt3A, %broadcast_in_dim3A, %scan3A_316 : vector<16xi1>, vector<16xi32>
          %mul3A_331 = arith.constant 256 : i32
          %mul3A_332 = arith.muli %scan3A_314, %mul3A_331 : i32
          %add3A_333 = arith.constant 16 : i32
          %add3A_334 = arith.addi %mul3A_332, %add3A_333 : i32
          %get3A_335 = arith.index_cast %scan3A_283 : i32 to index
          %get3A_336 = arith.index_cast %add3A_334 : i32 to index
          %get3A_337 = tpu.vector_load %arg6[%get3A_335, %get3A_336] {strides = array<i32>} : memref<8x6400xf32, #tpu.memory_space<vmem>>, vector<1x16xf32>,
          %get3A_338 = vector.shape_cast %get3A_337 : vector<1x16xf32> to vector<16xf32>
          %gt3A_339 = arith.cmpf ogt, %get3A_338, %select_n3A : vector<16xf32>
          %select_n3A_340 = arith.select %gt3A_339, %get3A_338, %select_n3A : vector<16xi1>, vector<16xf32>
          %mul3A_341 = arith.constant 16 : i32
          %mul3A_342 = arith.muli %scan3A_314, %mul3A_341 : i32
          %add3A_343 = arith.addi %mul3A_268, %mul3A_342 : i32
          %add3A_344 = arith.constant 1 : i32
          %add3A_345 = arith.addi %add3A_343, %add3A_344 : i32
          %broadcast_in_dim3A_346 = vector.broadcast %add3A_345 : i32 to vector<16xi32>
          %select_n3A_347 = arith.select %gt3A_339, %broadcast_in_dim3A_346, %select_n3A_330 : vector<16xi1>, vector<16xi32>
          %mul3A_348 = arith.constant 256 : i32
          %mul3A_349 = arith.muli %scan3A_314, %mul3A_348 : i32
          %add3A_350 = arith.constant 32 : i32
          %add3A_351 = arith.addi %mul3A_349, %add3A_350 : i32
          %get3A_352 = arith.index_cast %scan3A_283 : i32 to index
          %get3A_353 = arith.index_cast %add3A_351 : i32 to index
          %get3A_354 = tpu.vector_load %arg6[%get3A_352, %get3A_353] {strides = array<i32>} : memref<8x6400xf32, #tpu.memory_space<vmem>>, vector<1x16xf32>,
          %get3A_355 = vector.shape_cast %get3A_354 : vector<1x16xf32> to vector<16xf32>
          %gt3A_356 = arith.cmpf ogt, %get3A_355, %select_n3A_340 : vector<16xf32>
          %select_n3A_357 = arith.select %gt3A_356, %get3A_355, %select_n3A_340 : vector<16xi1>, vector<16xf32>
          %mul3A_358 = arith.constant 16 : i32
          %mul3A_359 = arith.muli %scan3A_314, %mul3A_358 : i32
          %add3A_360 = arith.addi %mul3A_268, %mul3A_359 : i32
          %add3A_361 = arith.constant 2 : i32
          %add3A_362 = arith.addi %add3A_360, %add3A_361 : i32
          %broadcast_in_dim3A_363 = vector.broadcast %add3A_362 : i32 to vector<16xi32>
          %select_n3A_364 = arith.select %gt3A_356, %broadcast_in_dim3A_363, %select_n3A_347 : vector<16xi1>, vector<16xi32>
          %mul3A_365 = arith.constant 256 : i32
          %mul3A_366 = arith.muli %scan3A_314, %mul3A_365 : i32
          %add3A_367 = arith.constant 48 : i32
          %add3A_368 = arith.addi %mul3A_366, %add3A_367 : i32
          %get3A_369 = arith.index_cast %scan3A_283 : i32 to index
          %get3A_370 = arith.index_cast %add3A_368 : i32 to index
          %get3A_371 = tpu.vector_load %arg6[%get3A_369, %get3A_370] {strides = array<i32>} : memref<8x6400xf32, #tpu.memory_space<vmem>>, vector<1x16xf32>,
          %get3A_372 = vector.shape_cast %get3A_371 : vector<1x16xf32> to vector<16xf32>
          %gt3A_373 = arith.cmpf ogt, %get3A_372, %select_n3A_357 : vector<16xf32>
          %select_n3A_374 = arith.select %gt3A_373, %get3A_372, %select_n3A_357 : vector<16xi1>, vector<16xf32>
          %mul3A_375 = arith.constant 16 : i32
          %mul3A_376 = arith.muli %scan3A_314, %mul3A_375 : i32
          %add3A_377 = arith.addi %mul3A_268, %mul3A_376 : i32
          %add3A_378 = arith.constant 3 : i32
          %add3A_379 = arith.addi %add3A_377, %add3A_378 : i32
          %broadcast_in_dim3A_380 = vector.broadcast %add3A_379 : i32 to vector<16xi32>
          %select_n3A_381 = arith.select %gt3A_373, %broadcast_in_dim3A_380, %select_n3A_364 : vector<16xi1>, vector<16xi32>
          %mul3A_382 = arith.constant 256 : i32
          %mul3A_383 = arith.muli %scan3A_314, %mul3A_382 : i32
          %add3A_384 = arith.constant 64 : i32
          %add3A_385 = arith.addi %mul3A_383, %add3A_384 : i32
          %get3A_386 = arith.index_cast %scan3A_283 : i32 to index
          %get3A_387 = arith.index_cast %add3A_385 : i32 to index
          %get3A_388 = tpu.vector_load %arg6[%get3A_386, %get3A_387] {strides = array<i32>} : memref<8x6400xf32, #tpu.memory_space<vmem>>, vector<1x16xf32>,
          %get3A_389 = vector.shape_cast %get3A_388 : vector<1x16xf32> to vector<16xf32>
          %gt3A_390 = arith.cmpf ogt, %get3A_389, %select_n3A_374 : vector<16xf32>
          %select_n3A_391 = arith.select %gt3A_390, %get3A_389, %select_n3A_374 : vector<16xi1>, vector<16xf32>
          %mul3A_392 = arith.constant 16 : i32
          %mul3A_393 = arith.muli %scan3A_314, %mul3A_392 : i32
          %add3A_394 = arith.addi %mul3A_268, %mul3A_393 : i32
          %add3A_395 = arith.constant 4 : i32
          %add3A_396 = arith.addi %add3A_394, %add3A_395 : i32
          %broadcast_in_dim3A_397 = vector.broadcast %add3A_396 : i32 to vector<16xi32>
          %select_n3A_398 = arith.select %gt3A_390, %broadcast_in_dim3A_397, %select_n3A_381 : vector<16xi1>, vector<16xi32>
          %mul3A_399 = arith.constant 256 : i32
          %mul3A_400 = arith.muli %scan3A_314, %mul3A_399 : i32
          %add3A_401 = arith.constant 80 : i32
          %add3A_402 = arith.addi %mul3A_400, %add3A_401 : i32
          %get3A_403 = arith.index_cast %scan3A_283 : i32 to index
          %get3A_404 = arith.index_cast %add3A_402 : i32 to index
          %get3A_405 = tpu.vector_load %arg6[%get3A_403, %get3A_404] {strides = array<i32>} : memref<8x6400xf32, #tpu.memory_space<vmem>>, vector<1x16xf32>,
          %get3A_406 = vector.shape_cast %get3A_405 : vector<1x16xf32> to vector<16xf32>
          %gt3A_407 = arith.cmpf ogt, %get3A_406, %select_n3A_391 : vector<16xf32>
          %select_n3A_408 = arith.select %gt3A_407, %get3A_406, %select_n3A_391 : vector<16xi1>, vector<16xf32>
          %mul3A_409 = arith.constant 16 : i32
          %mul3A_410 = arith.muli %scan3A_314, %mul3A_409 : i32
          %add3A_411 = arith.addi %mul3A_268, %mul3A_410 : i32
          %add3A_412 = arith.constant 5 : i32
          %add3A_413 = arith.addi %add3A_411, %add3A_412 : i32
          %broadcast_in_dim3A_414 = vector.broadcast %add3A_413 : i32 to vector<16xi32>
          %select_n3A_415 = arith.select %gt3A_407, %broadcast_in_dim3A_414, %select_n3A_398 : vector<16xi1>, vector<16xi32>
          %mul3A_416 = arith.constant 256 : i32
          %mul3A_417 = arith.muli %scan3A_314, %mul3A_416 : i32
          %add3A_418 = arith.constant 96 : i32
          %add3A_419 = arith.addi %mul3A_417, %add3A_418 : i32
          %get3A_420 = arith.index_cast %scan3A_283 : i32 to index
          %get3A_421 = arith.index_cast %add3A_419 : i32 to index
          %get3A_422 = tpu.vector_load %arg6[%get3A_420, %get3A_421] {strides = array<i32>} : memref<8x6400xf32, #tpu.memory_space<vmem>>, vector<1x16xf32>,
          %get3A_423 = vector.shape_cast %get3A_422 : vector<1x16xf32> to vector<16xf32>
          %gt3A_424 = arith.cmpf ogt, %get3A_423, %select_n3A_408 : vector<16xf32>
          %select_n3A_425 = arith.select %gt3A_424, %get3A_423, %select_n3A_408 : vector<16xi1>, vector<16xf32>
          %mul3A_426 = arith.constant 16 : i32
          %mul3A_427 = arith.muli %scan3A_314, %mul3A_426 : i32
          %add3A_428 = arith.addi %mul3A_268, %mul3A_427 : i32
          %add3A_429 = arith.constant 6 : i32
          %add3A_430 = arith.addi %add3A_428, %add3A_429 : i32
          %broadcast_in_dim3A_431 = vector.broadcast %add3A_430 : i32 to vector<16xi32>
          %select_n3A_432 = arith.select %gt3A_424, %broadcast_in_dim3A_431, %select_n3A_415 : vector<16xi1>, vector<16xi32>
          %mul3A_433 = arith.constant 256 : i32
          %mul3A_434 = arith.muli %scan3A_314, %mul3A_433 : i32
          %add3A_435 = arith.constant 112 : i32
          %add3A_436 = arith.addi %mul3A_434, %add3A_435 : i32
          %get3A_437 = arith.index_cast %scan3A_283 : i32 to index
          %get3A_438 = arith.index_cast %add3A_436 : i32 to index
          %get3A_439 = tpu.vector_load %arg6[%get3A_437, %get3A_438] {strides = array<i32>} : memref<8x6400xf32, #tpu.memory_space<vmem>>, vector<1x16xf32>,
          %get3A_440 = vector.shape_cast %get3A_439 : vector<1x16xf32> to vector<16xf32>
          %gt3A_441 = arith.cmpf ogt, %get3A_440, %select_n3A_425 : vector<16xf32>
          %select_n3A_442 = arith.select %gt3A_441, %get3A_440, %select_n3A_425 : vector<16xi1>, vector<16xf32>
          %mul3A_443 = arith.constant 16 : i32
          %mul3A_444 = arith.muli %scan3A_314, %mul3A_443 : i32
          %add3A_445 = arith.addi %mul3A_268, %mul3A_444 : i32
          %add3A_446 = arith.constant 7 : i32
          %add3A_447 = arith.addi %add3A_445, %add3A_446 : i32
          %broadcast_in_dim3A_448 = vector.broadcast %add3A_447 : i32 to vector<16xi32>
          %select_n3A_449 = arith.select %gt3A_441, %broadcast_in_dim3A_448, %select_n3A_432 : vector<16xi1>, vector<16xi32>
          %mul3A_450 = arith.constant 256 : i32
          %mul3A_451 = arith.muli %scan3A_314, %mul3A_450 : i32
          %add3A_452 = arith.constant 128 : i32
          %add3A_453 = arith.addi %mul3A_451, %add3A_452 : i32
          %get3A_454 = arith.index_cast %scan3A_283 : i32 to index
          %get3A_455 = arith.index_cast %add3A_453 : i32 to index
          %get3A_456 = tpu.vector_load %arg6[%get3A_454, %get3A_455] {strides = array<i32>} : memref<8x6400xf32, #tpu.memory_space<vmem>>, vector<1x16xf32>,
          %get3A_457 = vector.shape_cast %get3A_456 : vector<1x16xf32> to vector<16xf32>
          %gt3A_458 = arith.cmpf ogt, %get3A_457, %select_n3A_442 : vector<16xf32>
          %select_n3A_459 = arith.select %gt3A_458, %get3A_457, %select_n3A_442 : vector<16xi1>, vector<16xf32>
          %mul3A_460 = arith.constant 16 : i32
          %mul3A_461 = arith.muli %scan3A_314, %mul3A_460 : i32
          %add3A_462 = arith.addi %mul3A_268, %mul3A_461 : i32
          %add3A_463 = arith.constant 8 : i32
          %add3A_464 = arith.addi %add3A_462, %add3A_463 : i32
          %broadcast_in_dim3A_465 = vector.broadcast %add3A_464 : i32 to vector<16xi32>
          %select_n3A_466 = arith.select %gt3A_458, %broadcast_in_dim3A_465, %select_n3A_449 : vector<16xi1>, vector<16xi32>
          %mul3A_467 = arith.constant 256 : i32
          %mul3A_468 = arith.muli %scan3A_314, %mul3A_467 : i32
          %add3A_469 = arith.constant 144 : i32
          %add3A_470 = arith.addi %mul3A_468, %add3A_469 : i32
          %get3A_471 = arith.index_cast %scan3A_283 : i32 to index
          %get3A_472 = arith.index_cast %add3A_470 : i32 to index
          %get3A_473 = tpu.vector_load %arg6[%get3A_471, %get3A_472] {strides = array<i32>} : memref<8x6400xf32, #tpu.memory_space<vmem>>, vector<1x16xf32>,
          %get3A_474 = vector.shape_cast %get3A_473 : vector<1x16xf32> to vector<16xf32>
          %gt3A_475 = arith.cmpf ogt, %get3A_474, %select_n3A_459 : vector<16xf32>
          %select_n3A_476 = arith.select %gt3A_475, %get3A_474, %select_n3A_459 : vector<16xi1>, vector<16xf32>
          %mul3A_477 = arith.constant 16 : i32
          %mul3A_478 = arith.muli %scan3A_314, %mul3A_477 : i32
          %add3A_479 = arith.addi %mul3A_268, %mul3A_478 : i32
          %add3A_480 = arith.constant 9 : i32
          %add3A_481 = arith.addi %add3A_479, %add3A_480 : i32
          %broadcast_in_dim3A_482 = vector.broadcast %add3A_481 : i32 to vector<16xi32>
          %select_n3A_483 = arith.select %gt3A_475, %broadcast_in_dim3A_482, %select_n3A_466 : vector<16xi1>, vector<16xi32>
          %mul3A_484 = arith.constant 256 : i32
          %mul3A_485 = arith.muli %scan3A_314, %mul3A_484 : i32
          %add3A_486 = arith.constant 160 : i32
          %add3A_487 = arith.addi %mul3A_485, %add3A_486 : i32
          %get3A_488 = arith.index_cast %scan3A_283 : i32 to index
          %get3A_489 = arith.index_cast %add3A_487 : i32 to index
          %get3A_490 = tpu.vector_load %arg6[%get3A_488, %get3A_489] {strides = array<i32>} : memref<8x6400xf32, #tpu.memory_space<vmem>>, vector<1x16xf32>,
          %get3A_491 = vector.shape_cast %get3A_490 : vector<1x16xf32> to vector<16xf32>
          %gt3A_492 = arith.cmpf ogt, %get3A_491, %select_n3A_476 : vector<16xf32>
          %select_n3A_493 = arith.select %gt3A_492, %get3A_491, %select_n3A_476 : vector<16xi1>, vector<16xf32>
          %mul3A_494 = arith.constant 16 : i32
          %mul3A_495 = arith.muli %scan3A_314, %mul3A_494 : i32
          %add3A_496 = arith.addi %mul3A_268, %mul3A_495 : i32
          %add3A_497 = arith.constant 10 : i32
          %add3A_498 = arith.addi %add3A_496, %add3A_497 : i32
          %broadcast_in_dim3A_499 = vector.broadcast %add3A_498 : i32 to vector<16xi32>
          %select_n3A_500 = arith.select %gt3A_492, %broadcast_in_dim3A_499, %select_n3A_483 : vector<16xi1>, vector<16xi32>
          %mul3A_501 = arith.constant 256 : i32
          %mul3A_502 = arith.muli %scan3A_314, %mul3A_501 : i32
          %add3A_503 = arith.constant 176 : i32
          %add3A_504 = arith.addi %mul3A_502, %add3A_503 : i32
          %get3A_505 = arith.index_cast %scan3A_283 : i32 to index
          %get3A_506 = arith.index_cast %add3A_504 : i32 to index
          %get3A_507 = tpu.vector_load %arg6[%get3A_505, %get3A_506] {strides = array<i32>} : memref<8x6400xf32, #tpu.memory_space<vmem>>, vector<1x16xf32>,
          %get3A_508 = vector.shape_cast %get3A_507 : vector<1x16xf32> to vector<16xf32>
          %gt3A_509 = arith.cmpf ogt, %get3A_508, %select_n3A_493 : vector<16xf32>
          %select_n3A_510 = arith.select %gt3A_509, %get3A_508, %select_n3A_493 : vector<16xi1>, vector<16xf32>
          %mul3A_511 = arith.constant 16 : i32
          %mul3A_512 = arith.muli %scan3A_314, %mul3A_511 : i32
          %add3A_513 = arith.addi %mul3A_268, %mul3A_512 : i32
          %add3A_514 = arith.constant 11 : i32
          %add3A_515 = arith.addi %add3A_513, %add3A_514 : i32
          %broadcast_in_dim3A_516 = vector.broadcast %add3A_515 : i32 to vector<16xi32>
          %select_n3A_517 = arith.select %gt3A_509, %broadcast_in_dim3A_516, %select_n3A_500 : vector<16xi1>, vector<16xi32>
          %mul3A_518 = arith.constant 256 : i32
          %mul3A_519 = arith.muli %scan3A_314, %mul3A_518 : i32
          %add3A_520 = arith.constant 192 : i32
          %add3A_521 = arith.addi %mul3A_519, %add3A_520 : i32
          %get3A_522 = arith.index_cast %scan3A_283 : i32 to index
          %get3A_523 = arith.index_cast %add3A_521 : i32 to index
          %get3A_524 = tpu.vector_load %arg6[%get3A_522, %get3A_523] {strides = array<i32>} : memref<8x6400xf32, #tpu.memory_space<vmem>>, vector<1x16xf32>,
          %get3A_525 = vector.shape_cast %get3A_524 : vector<1x16xf32> to vector<16xf32>
          %gt3A_526 = arith.cmpf ogt, %get3A_525, %select_n3A_510 : vector<16xf32>
          %select_n3A_527 = arith.select %gt3A_526, %get3A_525, %select_n3A_510 : vector<16xi1>, vector<16xf32>
          %mul3A_528 = arith.constant 16 : i32
          %mul3A_529 = arith.muli %scan3A_314, %mul3A_528 : i32
          %add3A_530 = arith.addi %mul3A_268, %mul3A_529 : i32
          %add3A_531 = arith.constant 12 : i32
          %add3A_532 = arith.addi %add3A_530, %add3A_531 : i32
          %broadcast_in_dim3A_533 = vector.broadcast %add3A_532 : i32 to vector<16xi32>
          %select_n3A_534 = arith.select %gt3A_526, %broadcast_in_dim3A_533, %select_n3A_517 : vector<16xi1>, vector<16xi32>
          %mul3A_535 = arith.constant 256 : i32
          %mul3A_536 = arith.muli %scan3A_314, %mul3A_535 : i32
          %add3A_537 = arith.constant 208 : i32
          %add3A_538 = arith.addi %mul3A_536, %add3A_537 : i32
          %get3A_539 = arith.index_cast %scan3A_283 : i32 to index
          %get3A_540 = arith.index_cast %add3A_538 : i32 to index
          %get3A_541 = tpu.vector_load %arg6[%get3A_539, %get3A_540] {strides = array<i32>} : memref<8x6400xf32, #tpu.memory_space<vmem>>, vector<1x16xf32>,
          %get3A_542 = vector.shape_cast %get3A_541 : vector<1x16xf32> to vector<16xf32>
          %gt3A_543 = arith.cmpf ogt, %get3A_542, %select_n3A_527 : vector<16xf32>
          %select_n3A_544 = arith.select %gt3A_543, %get3A_542, %select_n3A_527 : vector<16xi1>, vector<16xf32>
          %mul3A_545 = arith.constant 16 : i32
          %mul3A_546 = arith.muli %scan3A_314, %mul3A_545 : i32
          %add3A_547 = arith.addi %mul3A_268, %mul3A_546 : i32
          %add3A_548 = arith.constant 13 : i32
          %add3A_549 = arith.addi %add3A_547, %add3A_548 : i32
          %broadcast_in_dim3A_550 = vector.broadcast %add3A_549 : i32 to vector<16xi32>
          %select_n3A_551 = arith.select %gt3A_543, %broadcast_in_dim3A_550, %select_n3A_534 : vector<16xi1>, vector<16xi32>
          %mul3A_552 = arith.constant 256 : i32
          %mul3A_553 = arith.muli %scan3A_314, %mul3A_552 : i32
          %add3A_554 = arith.constant 224 : i32
          %add3A_555 = arith.addi %mul3A_553, %add3A_554 : i32
          %get3A_556 = arith.index_cast %scan3A_283 : i32 to index
          %get3A_557 = arith.index_cast %add3A_555 : i32 to index
          %get3A_558 = tpu.vector_load %arg6[%get3A_556, %get3A_557] {strides = array<i32>} : memref<8x6400xf32, #tpu.memory_space<vmem>>, vector<1x16xf32>,
          %get3A_559 = vector.shape_cast %get3A_558 : vector<1x16xf32> to vector<16xf32>
          %gt3A_560 = arith.cmpf ogt, %get3A_559, %select_n3A_544 : vector<16xf32>
          %select_n3A_561 = arith.select %gt3A_560, %get3A_559, %select_n3A_544 : vector<16xi1>, vector<16xf32>
          %mul3A_562 = arith.constant 16 : i32
          %mul3A_563 = arith.muli %scan3A_314, %mul3A_562 : i32
          %add3A_564 = arith.addi %mul3A_268, %mul3A_563 : i32
          %add3A_565 = arith.constant 14 : i32
          %add3A_566 = arith.addi %add3A_564, %add3A_565 : i32
          %broadcast_in_dim3A_567 = vector.broadcast %add3A_566 : i32 to vector<16xi32>
          %select_n3A_568 = arith.select %gt3A_560, %broadcast_in_dim3A_567, %select_n3A_551 : vector<16xi1>, vector<16xi32>
          %mul3A_569 = arith.constant 256 : i32
          %mul3A_570 = arith.muli %scan3A_314, %mul3A_569 : i32
          %add3A_571 = arith.constant 240 : i32
          %add3A_572 = arith.addi %mul3A_570, %add3A_571 : i32
          %get3A_573 = arith.index_cast %scan3A_283 : i32 to index
          %get3A_574 = arith.index_cast %add3A_572 : i32 to index
          %get3A_575 = tpu.vector_load %arg6[%get3A_573, %get3A_574] {strides = array<i32>} : memref<8x6400xf32, #tpu.memory_space<vmem>>, vector<1x16xf32>,
          %get3A_576 = vector.shape_cast %get3A_575 : vector<1x16xf32> to vector<16xf32>
          %gt3A_577 = arith.cmpf ogt, %get3A_576, %select_n3A_561 : vector<16xf32>
          %select_n3A_578 = arith.select %gt3A_577, %get3A_576, %select_n3A_561 : vector<16xi1>, vector<16xf32>
          %mul3A_579 = arith.constant 16 : i32
          %mul3A_580 = arith.muli %scan3A_314, %mul3A_579 : i32
          %add3A_581 = arith.addi %mul3A_268, %mul3A_580 : i32
          %add3A_582 = arith.constant 15 : i32
          %add3A_583 = arith.addi %add3A_581, %add3A_582 : i32
          %broadcast_in_dim3A_584 = vector.broadcast %add3A_583 : i32 to vector<16xi32>
          %select_n3A_585 = arith.select %gt3A_577, %broadcast_in_dim3A_584, %select_n3A_568 : vector<16xi1>, vector<16xi32>
          scf.yield %select_n3A_578, %select_n3A_585 : vector<16xf32>, vector<16xi32>
        }
        %scan3A_300 = arith.constant 25 : i32
        %mul3A_301 = arith.constant 16 : i32
        %mul3A_302 = arith.muli %scan3A_283, %mul3A_301 : i32
        %swap3A_303 = arith.index_cast %mul3A_302 : i32 to index
        %swap3A_304 = tpu.vector_load %arg7[%swap3A_303] {strides = array<i32>} : memref<128xf32, #tpu.memory_space<vmem>>, vector<16xf32>,
        %swap3A_305 = vector.shape_cast %swap3A_304 : vector<16xf32> to vector<16xf32>
        %swap3A_306 = vector.shape_cast %scan3A_299#0 : vector<16xf32> to vector<16xf32>
        tpu.vector_store %arg7[%swap3A_303], %swap3A_306 {strides = array<i32>} : memref<128xf32, #tpu.memory_space<vmem>>, vector<16xf32>,
        %mul3A_307 = arith.constant 16 : i32
        %mul3A_308 = arith.muli %scan3A_283, %mul3A_307 : i32
        %swap3A_309 = arith.index_cast %mul3A_308 : i32 to index
        %swap3A_310 = tpu.vector_load %arg8[%swap3A_309] {strides = array<i32>} : memref<128xi32, #tpu.memory_space<vmem>>, vector<16xi32>,
        %swap3A_311 = vector.shape_cast %swap3A_310 : vector<16xi32> to vector<16xi32>
        %swap3A_312 = vector.shape_cast %scan3A_299#1 : vector<16xi32> to vector<16xi32>
        tpu.vector_store %arg8[%swap3A_309], %swap3A_312 {strides = array<i32>} : memref<128xi32, #tpu.memory_space<vmem>>, vector<16xi32>,
        %scan3A_313 = arith.constant 0 : i32
        scf.yield %scan3A_313 : i32
      }
      %scan3A_275 = arith.constant 8 : i32
      %lt3A = arith.constant 6 : i32
      %lt3A_276 = arith.cmpi slt, %scan3A_219, %lt3A : i32
      %convert_element_type3A = arith.extui %lt3A_276 : i1 to i32
      %cond3A = arith.constant 0 : i32
      %cond3A_277 = arith.cmpi ne, %convert_element_type3A, %cond3A : i32
      scf.if %cond3A_277 {
        %add3A_283 = arith.constant 3 : i32
        %add3A_284 = arith.addi %mul3A_222, %add3A_283 : i32
        %mul3A_285 = arith.constant 6400 : i32
        %mul3A_286 = arith.muli %add3A_284, %mul3A_285 : i32
        %multiple_of3A_287 = tpu.assume_multiple %mul3A_286, 128 : i32
        %dma_start3A_288 = arith.constant 0 : i32
        %dma_start3A_289 = arith.constant 0 : i32
        %dma_start3A_290 = tpu.memref_slice %arg6[%dma_start3A_288, %dma_start3A_289] : memref<8x6400xf32, #tpu.memory_space<vmem>> -> memref<8x6400xf32, #tpu.memory_space<vmem>>
        %dma_start3A_291 = tpu.memref_slice %arg2[%add3A_4, %multiple_of3A_287] : memref<576x100000xf32, #tpu.memory_space<hbm>> -> memref<8x6400xf32, #tpu.memory_space<hbm>>
        %dma_start3A_292 = arith.constant 0 : i32
        %dma_start3A_293 = arith.constant 0 : i32
        %dma_start3A_294 = tpu.memref_slice %arg6[%dma_start3A_292, %dma_start3A_293] : memref<8x6400xf32, #tpu.memory_space<vmem>> -> memref<8x6400xf32, #tpu.memory_space<vmem>>
        %dma_start3A_295 = tpu.memref_slice %arg2[%add3A_4, %multiple_of3A_287] : memref<576x100000xf32, #tpu.memory_space<hbm>> -> memref<8x6400xf32, #tpu.memory_space<hbm>>
        tpu.enqueue_dma source(%dma_start3A_295 : memref<8x6400xf32, #tpu.memory_space<hbm>>) target(%dma_start3A_294 : memref<8x6400xf32, #tpu.memory_space<vmem>>) target_semaphore(%arg12 : memref<!tpu.dma_semaphore, #tpu.memory_space<semaphore_mem>>)
      } else {
      }
      %eq3A = arith.constant 6 : i32
      %eq3A_278 = arith.cmpi eq, %scan3A_219, %eq3A : i32
      %convert_element_type3A_279 = arith.extui %eq3A_278 : i1 to i32
      %cond3A_280 = arith.constant 0 : i32
      %cond3A_281 = arith.cmpi ne, %convert_element_type3A_279, %cond3A_280 : i32
      scf.if %cond3A_281 {
        %multiple_of3A_283 = arith.constant 96000 : i32
        %multiple_of3A_284 = tpu.assume_multiple %multiple_of3A_283, 128 : i32
        %dma_start3A_285 = arith.constant 0 : i32
        %dma_start3A_286 = arith.constant 0 : i32
        %dma_start3A_287 = tpu.memref_slice %arg6[%dma_start3A_285, %dma_start3A_286] : memref<8x6400xf32, #tpu.memory_space<vmem>> -> memref<8x3968xf32, #tpu.memory_space<vmem>>
        %dma_start3A_288 = tpu.memref_slice %arg2[%add3A_4, %multiple_of3A_284] : memref<576x100000xf32, #tpu.memory_space<hbm>> -> memref<8x3968xf32, #tpu.memory_space<hbm>>
        %dma_start3A_289 = arith.constant 0 : i32
        %dma_start3A_290 = arith.constant 0 : i32
        %dma_start3A_291 = tpu.memref_slice %arg6[%dma_start3A_289, %dma_start3A_290] : memref<8x6400xf32, #tpu.memory_space<vmem>> -> memref<8x3968xf32, #tpu.memory_space<vmem>>
        %dma_start3A_292 = tpu.memref_slice %arg2[%add3A_4, %multiple_of3A_284] : memref<576x100000xf32, #tpu.memory_space<hbm>> -> memref<8x3968xf32, #tpu.memory_space<hbm>>
        tpu.enqueue_dma source(%dma_start3A_292 : memref<8x3968xf32, #tpu.memory_space<hbm>>) target(%dma_start3A_291 : memref<8x3968xf32, #tpu.memory_space<vmem>>) target_semaphore(%arg12 : memref<!tpu.dma_semaphore, #tpu.memory_space<semaphore_mem>>)
      } else {
      }
      %scan3A_282 = arith.constant 0 : i32
      scf.yield %scan3A_282 : i32
    }
    %scan3A_35 = arith.constant 7 : i32
    %dma_wait3A = arith.constant 0 : i32
    %dma_wait3A_36 = arith.constant 0 : i32
    %dma_wait3A_37 = tpu.memref_slice %arg5[%dma_wait3A, %dma_wait3A_36] : memref<8x6400xf32, #tpu.memory_space<vmem>> -> memref<8x6400xf32, #tpu.memory_space<vmem>>
    %dma_wait3A_38 = arith.constant 0 : i32
    %dma_wait3A_39 = tpu.memref_slice %arg2[%add3A_4, %dma_wait3A_38] : memref<576x100000xf32, #tpu.memory_space<hbm>> -> memref<8x6400xf32, #tpu.memory_space<hbm>>
    %dma_wait3A_40 = arith.constant 0 : i32
    %dma_wait3A_41 = arith.constant 0 : i32
    %dma_wait3A_42 = tpu.memref_slice %arg5[%dma_wait3A_40, %dma_wait3A_41] : memref<8x6400xf32, #tpu.memory_space<vmem>> -> memref<8x6400xf32, #tpu.memory_space<vmem>>
    %dma_wait3A_43 = arith.constant 0 : i32
    %dma_wait3A_44 = tpu.memref_slice %arg2[%add3A_4, %dma_wait3A_43] : memref<576x100000xf32, #tpu.memory_space<hbm>> -> memref<8x6400xf32, #tpu.memory_space<hbm>>
    tpu.wait_dma2 semaphore(%arg11 : memref<!tpu.dma_semaphore, #tpu.memory_space<semaphore_mem>>) src(%dma_wait3A_44 : memref<8x6400xf32, #tpu.memory_space<hbm>>) dst(%dma_wait3A_42 : memref<8x6400xf32, #tpu.memory_space<vmem>>)
    %scan3A_45 = arith.constant 0 : i32
    %scan3A_46 = arith.constant 0 : i32
    %scan3A_47 = arith.constant 8 : i32
    %scan3A_48 = arith.addi %scan3A_46, %scan3A_47 : i32
    %scan3A_49 = arith.constant 1 : i32
    %scan3A_50 = scf.for %scan3A_219 = %scan3A_46 to %scan3A_48 step %scan3A_49 iter_args(%scan3A_220 = %scan3A_45) -> (i32)  : i32 {
      %mul3A_221 = arith.constant 16 : i32
      %mul3A_222 = arith.muli %scan3A_219, %mul3A_221 : i32
      %get3A_223 = arith.index_cast %mul3A_222 : i32 to index
      %get3A_224 = tpu.vector_load %arg7[%get3A_223] {strides = array<i32>} : memref<128xf32, #tpu.memory_space<vmem>>, vector<16xf32>,
      %get3A_225 = vector.shape_cast %get3A_224 : vector<16xf32> to vector<16xf32>
      %mul3A_226 = arith.constant 16 : i32
      %mul3A_227 = arith.muli %scan3A_219, %mul3A_226 : i32
      %get3A_228 = arith.index_cast %mul3A_227 : i32 to index
      %get3A_229 = tpu.vector_load %arg8[%get3A_228] {strides = array<i32>} : memref<128xi32, #tpu.memory_space<vmem>>, vector<16xi32>,
      %get3A_230 = vector.shape_cast %get3A_229 : vector<16xi32> to vector<16xi32>
      %scan3A_231 = arith.constant 0 : i32
      %scan3A_232 = arith.constant 25 : i32
      %scan3A_233 = arith.addi %scan3A_231, %scan3A_232 : i32
      %scan3A_234 = arith.constant 1 : i32
      %scan3A_235:2 = scf.for %scan3A_250 = %scan3A_231 to %scan3A_233 step %scan3A_234 iter_args(%scan3A_251 = %get3A_225, %scan3A_252 = %get3A_230) -> (vector<16xf32>, vector<16xi32>)  : i32 {
        %mul3A_253 = arith.constant 256 : i32
        %mul3A_254 = arith.muli %scan3A_250, %mul3A_253 : i32
        %add3A_255 = arith.constant 0 : i32
        %add3A_256 = arith.addi %mul3A_254, %add3A_255 : i32
        %get3A_257 = arith.index_cast %scan3A_219 : i32 to index
        %get3A_258 = arith.index_cast %add3A_256 : i32 to index
        %get3A_259 = tpu.vector_load %arg5[%get3A_257, %get3A_258] {strides = array<i32>} : memref<8x6400xf32, #tpu.memory_space<vmem>>, vector<1x16xf32>,
        %get3A_260 = vector.shape_cast %get3A_259 : vector<1x16xf32> to vector<16xf32>
        %gt3A = arith.cmpf ogt, %get3A_260, %scan3A_251 : vector<16xf32>
        %select_n3A = arith.select %gt3A, %get3A_260, %scan3A_251 : vector<16xi1>, vector<16xf32>
        %mul3A_261 = arith.constant 16 : i32
        %mul3A_262 = arith.muli %scan3A_250, %mul3A_261 : i32
        %add3A_263 = arith.constant 5600 : i32
        %add3A_264 = arith.addi %add3A_263, %mul3A_262 : i32
        %add3A_265 = arith.constant 0 : i32
        %add3A_266 = arith.addi %add3A_264, %add3A_265 : i32
        %broadcast_in_dim3A = vector.broadcast %add3A_266 : i32 to vector<16xi32>
        %select_n3A_267 = arith.select %gt3A, %broadcast_in_dim3A, %scan3A_252 : vector<16xi1>, vector<16xi32>
        %mul3A_268 = arith.constant 256 : i32
        %mul3A_269 = arith.muli %scan3A_250, %mul3A_268 : i32
        %add3A_270 = arith.constant 16 : i32
        %add3A_271 = arith.addi %mul3A_269, %add3A_270 : i32
        %get3A_272 = arith.index_cast %scan3A_219 : i32 to index
        %get3A_273 = arith.index_cast %add3A_271 : i32 to index
        %get3A_274 = tpu.vector_load %arg5[%get3A_272, %get3A_273] {strides = array<i32>} : memref<8x6400xf32, #tpu.memory_space<vmem>>, vector<1x16xf32>,
        %get3A_275 = vector.shape_cast %get3A_274 : vector<1x16xf32> to vector<16xf32>
        %gt3A_276 = arith.cmpf ogt, %get3A_275, %select_n3A : vector<16xf32>
        %select_n3A_277 = arith.select %gt3A_276, %get3A_275, %select_n3A : vector<16xi1>, vector<16xf32>
        %mul3A_278 = arith.constant 16 : i32
        %mul3A_279 = arith.muli %scan3A_250, %mul3A_278 : i32
        %add3A_280 = arith.constant 5600 : i32
        %add3A_281 = arith.addi %add3A_280, %mul3A_279 : i32
        %add3A_282 = arith.constant 1 : i32
        %add3A_283 = arith.addi %add3A_281, %add3A_282 : i32
        %broadcast_in_dim3A_284 = vector.broadcast %add3A_283 : i32 to vector<16xi32>
        %select_n3A_285 = arith.select %gt3A_276, %broadcast_in_dim3A_284, %select_n3A_267 : vector<16xi1>, vector<16xi32>
        %mul3A_286 = arith.constant 256 : i32
        %mul3A_287 = arith.muli %scan3A_250, %mul3A_286 : i32
        %add3A_288 = arith.constant 32 : i32
        %add3A_289 = arith.addi %mul3A_287, %add3A_288 : i32
        %get3A_290 = arith.index_cast %scan3A_219 : i32 to index
        %get3A_291 = arith.index_cast %add3A_289 : i32 to index
        %get3A_292 = tpu.vector_load %arg5[%get3A_290, %get3A_291] {strides = array<i32>} : memref<8x6400xf32, #tpu.memory_space<vmem>>, vector<1x16xf32>,
        %get3A_293 = vector.shape_cast %get3A_292 : vector<1x16xf32> to vector<16xf32>
        %gt3A_294 = arith.cmpf ogt, %get3A_293, %select_n3A_277 : vector<16xf32>
        %select_n3A_295 = arith.select %gt3A_294, %get3A_293, %select_n3A_277 : vector<16xi1>, vector<16xf32>
        %mul3A_296 = arith.constant 16 : i32
        %mul3A_297 = arith.muli %scan3A_250, %mul3A_296 : i32
        %add3A_298 = arith.constant 5600 : i32
        %add3A_299 = arith.addi %add3A_298, %mul3A_297 : i32
        %add3A_300 = arith.constant 2 : i32
        %add3A_301 = arith.addi %add3A_299, %add3A_300 : i32
        %broadcast_in_dim3A_302 = vector.broadcast %add3A_301 : i32 to vector<16xi32>
        %select_n3A_303 = arith.select %gt3A_294, %broadcast_in_dim3A_302, %select_n3A_285 : vector<16xi1>, vector<16xi32>
        %mul3A_304 = arith.constant 256 : i32
        %mul3A_305 = arith.muli %scan3A_250, %mul3A_304 : i32
        %add3A_306 = arith.constant 48 : i32
        %add3A_307 = arith.addi %mul3A_305, %add3A_306 : i32
        %get3A_308 = arith.index_cast %scan3A_219 : i32 to index
        %get3A_309 = arith.index_cast %add3A_307 : i32 to index
        %get3A_310 = tpu.vector_load %arg5[%get3A_308, %get3A_309] {strides = array<i32>} : memref<8x6400xf32, #tpu.memory_space<vmem>>, vector<1x16xf32>,
        %get3A_311 = vector.shape_cast %get3A_310 : vector<1x16xf32> to vector<16xf32>
        %gt3A_312 = arith.cmpf ogt, %get3A_311, %select_n3A_295 : vector<16xf32>
        %select_n3A_313 = arith.select %gt3A_312, %get3A_311, %select_n3A_295 : vector<16xi1>, vector<16xf32>
        %mul3A_314 = arith.constant 16 : i32
        %mul3A_315 = arith.muli %scan3A_250, %mul3A_314 : i32
        %add3A_316 = arith.constant 5600 : i32
        %add3A_317 = arith.addi %add3A_316, %mul3A_315 : i32
        %add3A_318 = arith.constant 3 : i32
        %add3A_319 = arith.addi %add3A_317, %add3A_318 : i32
        %broadcast_in_dim3A_320 = vector.broadcast %add3A_319 : i32 to vector<16xi32>
        %select_n3A_321 = arith.select %gt3A_312, %broadcast_in_dim3A_320, %select_n3A_303 : vector<16xi1>, vector<16xi32>
        %mul3A_322 = arith.constant 256 : i32
        %mul3A_323 = arith.muli %scan3A_250, %mul3A_322 : i32
        %add3A_324 = arith.constant 64 : i32
        %add3A_325 = arith.addi %mul3A_323, %add3A_324 : i32
        %get3A_326 = arith.index_cast %scan3A_219 : i32 to index
        %get3A_327 = arith.index_cast %add3A_325 : i32 to index
        %get3A_328 = tpu.vector_load %arg5[%get3A_326, %get3A_327] {strides = array<i32>} : memref<8x6400xf32, #tpu.memory_space<vmem>>, vector<1x16xf32>,
        %get3A_329 = vector.shape_cast %get3A_328 : vector<1x16xf32> to vector<16xf32>
        %gt3A_330 = arith.cmpf ogt, %get3A_329, %select_n3A_313 : vector<16xf32>
        %select_n3A_331 = arith.select %gt3A_330, %get3A_329, %select_n3A_313 : vector<16xi1>, vector<16xf32>
        %mul3A_332 = arith.constant 16 : i32
        %mul3A_333 = arith.muli %scan3A_250, %mul3A_332 : i32
        %add3A_334 = arith.constant 5600 : i32
        %add3A_335 = arith.addi %add3A_334, %mul3A_333 : i32
        %add3A_336 = arith.constant 4 : i32
        %add3A_337 = arith.addi %add3A_335, %add3A_336 : i32
        %broadcast_in_dim3A_338 = vector.broadcast %add3A_337 : i32 to vector<16xi32>
        %select_n3A_339 = arith.select %gt3A_330, %broadcast_in_dim3A_338, %select_n3A_321 : vector<16xi1>, vector<16xi32>
        %mul3A_340 = arith.constant 256 : i32
        %mul3A_341 = arith.muli %scan3A_250, %mul3A_340 : i32
        %add3A_342 = arith.constant 80 : i32
        %add3A_343 = arith.addi %mul3A_341, %add3A_342 : i32
        %get3A_344 = arith.index_cast %scan3A_219 : i32 to index
        %get3A_345 = arith.index_cast %add3A_343 : i32 to index
        %get3A_346 = tpu.vector_load %arg5[%get3A_344, %get3A_345] {strides = array<i32>} : memref<8x6400xf32, #tpu.memory_space<vmem>>, vector<1x16xf32>,
        %get3A_347 = vector.shape_cast %get3A_346 : vector<1x16xf32> to vector<16xf32>
        %gt3A_348 = arith.cmpf ogt, %get3A_347, %select_n3A_331 : vector<16xf32>
        %select_n3A_349 = arith.select %gt3A_348, %get3A_347, %select_n3A_331 : vector<16xi1>, vector<16xf32>
        %mul3A_350 = arith.constant 16 : i32
        %mul3A_351 = arith.muli %scan3A_250, %mul3A_350 : i32
        %add3A_352 = arith.constant 5600 : i32
        %add3A_353 = arith.addi %add3A_352, %mul3A_351 : i32
        %add3A_354 = arith.constant 5 : i32
        %add3A_355 = arith.addi %add3A_353, %add3A_354 : i32
        %broadcast_in_dim3A_356 = vector.broadcast %add3A_355 : i32 to vector<16xi32>
        %select_n3A_357 = arith.select %gt3A_348, %broadcast_in_dim3A_356, %select_n3A_339 : vector<16xi1>, vector<16xi32>
        %mul3A_358 = arith.constant 256 : i32
        %mul3A_359 = arith.muli %scan3A_250, %mul3A_358 : i32
        %add3A_360 = arith.constant 96 : i32
        %add3A_361 = arith.addi %mul3A_359, %add3A_360 : i32
        %get3A_362 = arith.index_cast %scan3A_219 : i32 to index
        %get3A_363 = arith.index_cast %add3A_361 : i32 to index
        %get3A_364 = tpu.vector_load %arg5[%get3A_362, %get3A_363] {strides = array<i32>} : memref<8x6400xf32, #tpu.memory_space<vmem>>, vector<1x16xf32>,
        %get3A_365 = vector.shape_cast %get3A_364 : vector<1x16xf32> to vector<16xf32>
        %gt3A_366 = arith.cmpf ogt, %get3A_365, %select_n3A_349 : vector<16xf32>
        %select_n3A_367 = arith.select %gt3A_366, %get3A_365, %select_n3A_349 : vector<16xi1>, vector<16xf32>
        %mul3A_368 = arith.constant 16 : i32
        %mul3A_369 = arith.muli %scan3A_250, %mul3A_368 : i32
        %add3A_370 = arith.constant 5600 : i32
        %add3A_371 = arith.addi %add3A_370, %mul3A_369 : i32
        %add3A_372 = arith.constant 6 : i32
        %add3A_373 = arith.addi %add3A_371, %add3A_372 : i32
        %broadcast_in_dim3A_374 = vector.broadcast %add3A_373 : i32 to vector<16xi32>
        %select_n3A_375 = arith.select %gt3A_366, %broadcast_in_dim3A_374, %select_n3A_357 : vector<16xi1>, vector<16xi32>
        %mul3A_376 = arith.constant 256 : i32
        %mul3A_377 = arith.muli %scan3A_250, %mul3A_376 : i32
        %add3A_378 = arith.constant 112 : i32
        %add3A_379 = arith.addi %mul3A_377, %add3A_378 : i32
        %get3A_380 = arith.index_cast %scan3A_219 : i32 to index
        %get3A_381 = arith.index_cast %add3A_379 : i32 to index
        %get3A_382 = tpu.vector_load %arg5[%get3A_380, %get3A_381] {strides = array<i32>} : memref<8x6400xf32, #tpu.memory_space<vmem>>, vector<1x16xf32>,
        %get3A_383 = vector.shape_cast %get3A_382 : vector<1x16xf32> to vector<16xf32>
        %gt3A_384 = arith.cmpf ogt, %get3A_383, %select_n3A_367 : vector<16xf32>
        %select_n3A_385 = arith.select %gt3A_384, %get3A_383, %select_n3A_367 : vector<16xi1>, vector<16xf32>
        %mul3A_386 = arith.constant 16 : i32
        %mul3A_387 = arith.muli %scan3A_250, %mul3A_386 : i32
        %add3A_388 = arith.constant 5600 : i32
        %add3A_389 = arith.addi %add3A_388, %mul3A_387 : i32
        %add3A_390 = arith.constant 7 : i32
        %add3A_391 = arith.addi %add3A_389, %add3A_390 : i32
        %broadcast_in_dim3A_392 = vector.broadcast %add3A_391 : i32 to vector<16xi32>
        %select_n3A_393 = arith.select %gt3A_384, %broadcast_in_dim3A_392, %select_n3A_375 : vector<16xi1>, vector<16xi32>
        %mul3A_394 = arith.constant 256 : i32
        %mul3A_395 = arith.muli %scan3A_250, %mul3A_394 : i32
        %add3A_396 = arith.constant 128 : i32
        %add3A_397 = arith.addi %mul3A_395, %add3A_396 : i32
        %get3A_398 = arith.index_cast %scan3A_219 : i32 to index
        %get3A_399 = arith.index_cast %add3A_397 : i32 to index
        %get3A_400 = tpu.vector_load %arg5[%get3A_398, %get3A_399] {strides = array<i32>} : memref<8x6400xf32, #tpu.memory_space<vmem>>, vector<1x16xf32>,
        %get3A_401 = vector.shape_cast %get3A_400 : vector<1x16xf32> to vector<16xf32>
        %gt3A_402 = arith.cmpf ogt, %get3A_401, %select_n3A_385 : vector<16xf32>
        %select_n3A_403 = arith.select %gt3A_402, %get3A_401, %select_n3A_385 : vector<16xi1>, vector<16xf32>
        %mul3A_404 = arith.constant 16 : i32
        %mul3A_405 = arith.muli %scan3A_250, %mul3A_404 : i32
        %add3A_406 = arith.constant 5600 : i32
        %add3A_407 = arith.addi %add3A_406, %mul3A_405 : i32
        %add3A_408 = arith.constant 8 : i32
        %add3A_409 = arith.addi %add3A_407, %add3A_408 : i32
        %broadcast_in_dim3A_410 = vector.broadcast %add3A_409 : i32 to vector<16xi32>
        %select_n3A_411 = arith.select %gt3A_402, %broadcast_in_dim3A_410, %select_n3A_393 : vector<16xi1>, vector<16xi32>
        %mul3A_412 = arith.constant 256 : i32
        %mul3A_413 = arith.muli %scan3A_250, %mul3A_412 : i32
        %add3A_414 = arith.constant 144 : i32
        %add3A_415 = arith.addi %mul3A_413, %add3A_414 : i32
        %get3A_416 = arith.index_cast %scan3A_219 : i32 to index
        %get3A_417 = arith.index_cast %add3A_415 : i32 to index
        %get3A_418 = tpu.vector_load %arg5[%get3A_416, %get3A_417] {strides = array<i32>} : memref<8x6400xf32, #tpu.memory_space<vmem>>, vector<1x16xf32>,
        %get3A_419 = vector.shape_cast %get3A_418 : vector<1x16xf32> to vector<16xf32>
        %gt3A_420 = arith.cmpf ogt, %get3A_419, %select_n3A_403 : vector<16xf32>
        %select_n3A_421 = arith.select %gt3A_420, %get3A_419, %select_n3A_403 : vector<16xi1>, vector<16xf32>
        %mul3A_422 = arith.constant 16 : i32
        %mul3A_423 = arith.muli %scan3A_250, %mul3A_422 : i32
        %add3A_424 = arith.constant 5600 : i32
        %add3A_425 = arith.addi %add3A_424, %mul3A_423 : i32
        %add3A_426 = arith.constant 9 : i32
        %add3A_427 = arith.addi %add3A_425, %add3A_426 : i32
        %broadcast_in_dim3A_428 = vector.broadcast %add3A_427 : i32 to vector<16xi32>
        %select_n3A_429 = arith.select %gt3A_420, %broadcast_in_dim3A_428, %select_n3A_411 : vector<16xi1>, vector<16xi32>
        %mul3A_430 = arith.constant 256 : i32
        %mul3A_431 = arith.muli %scan3A_250, %mul3A_430 : i32
        %add3A_432 = arith.constant 160 : i32
        %add3A_433 = arith.addi %mul3A_431, %add3A_432 : i32
        %get3A_434 = arith.index_cast %scan3A_219 : i32 to index
        %get3A_435 = arith.index_cast %add3A_433 : i32 to index
        %get3A_436 = tpu.vector_load %arg5[%get3A_434, %get3A_435] {strides = array<i32>} : memref<8x6400xf32, #tpu.memory_space<vmem>>, vector<1x16xf32>,
        %get3A_437 = vector.shape_cast %get3A_436 : vector<1x16xf32> to vector<16xf32>
        %gt3A_438 = arith.cmpf ogt, %get3A_437, %select_n3A_421 : vector<16xf32>
        %select_n3A_439 = arith.select %gt3A_438, %get3A_437, %select_n3A_421 : vector<16xi1>, vector<16xf32>
        %mul3A_440 = arith.constant 16 : i32
        %mul3A_441 = arith.muli %scan3A_250, %mul3A_440 : i32
        %add3A_442 = arith.constant 5600 : i32
        %add3A_443 = arith.addi %add3A_442, %mul3A_441 : i32
        %add3A_444 = arith.constant 10 : i32
        %add3A_445 = arith.addi %add3A_443, %add3A_444 : i32
        %broadcast_in_dim3A_446 = vector.broadcast %add3A_445 : i32 to vector<16xi32>
        %select_n3A_447 = arith.select %gt3A_438, %broadcast_in_dim3A_446, %select_n3A_429 : vector<16xi1>, vector<16xi32>
        %mul3A_448 = arith.constant 256 : i32
        %mul3A_449 = arith.muli %scan3A_250, %mul3A_448 : i32
        %add3A_450 = arith.constant 176 : i32
        %add3A_451 = arith.addi %mul3A_449, %add3A_450 : i32
        %get3A_452 = arith.index_cast %scan3A_219 : i32 to index
        %get3A_453 = arith.index_cast %add3A_451 : i32 to index
        %get3A_454 = tpu.vector_load %arg5[%get3A_452, %get3A_453] {strides = array<i32>} : memref<8x6400xf32, #tpu.memory_space<vmem>>, vector<1x16xf32>,
        %get3A_455 = vector.shape_cast %get3A_454 : vector<1x16xf32> to vector<16xf32>
        %gt3A_456 = arith.cmpf ogt, %get3A_455, %select_n3A_439 : vector<16xf32>
        %select_n3A_457 = arith.select %gt3A_456, %get3A_455, %select_n3A_439 : vector<16xi1>, vector<16xf32>
        %mul3A_458 = arith.constant 16 : i32
        %mul3A_459 = arith.muli %scan3A_250, %mul3A_458 : i32
        %add3A_460 = arith.constant 5600 : i32
        %add3A_461 = arith.addi %add3A_460, %mul3A_459 : i32
        %add3A_462 = arith.constant 11 : i32
        %add3A_463 = arith.addi %add3A_461, %add3A_462 : i32
        %broadcast_in_dim3A_464 = vector.broadcast %add3A_463 : i32 to vector<16xi32>
        %select_n3A_465 = arith.select %gt3A_456, %broadcast_in_dim3A_464, %select_n3A_447 : vector<16xi1>, vector<16xi32>
        %mul3A_466 = arith.constant 256 : i32
        %mul3A_467 = arith.muli %scan3A_250, %mul3A_466 : i32
        %add3A_468 = arith.constant 192 : i32
        %add3A_469 = arith.addi %mul3A_467, %add3A_468 : i32
        %get3A_470 = arith.index_cast %scan3A_219 : i32 to index
        %get3A_471 = arith.index_cast %add3A_469 : i32 to index
        %get3A_472 = tpu.vector_load %arg5[%get3A_470, %get3A_471] {strides = array<i32>} : memref<8x6400xf32, #tpu.memory_space<vmem>>, vector<1x16xf32>,
        %get3A_473 = vector.shape_cast %get3A_472 : vector<1x16xf32> to vector<16xf32>
        %gt3A_474 = arith.cmpf ogt, %get3A_473, %select_n3A_457 : vector<16xf32>
        %select_n3A_475 = arith.select %gt3A_474, %get3A_473, %select_n3A_457 : vector<16xi1>, vector<16xf32>
        %mul3A_476 = arith.constant 16 : i32
        %mul3A_477 = arith.muli %scan3A_250, %mul3A_476 : i32
        %add3A_478 = arith.constant 5600 : i32
        %add3A_479 = arith.addi %add3A_478, %mul3A_477 : i32
        %add3A_480 = arith.constant 12 : i32
        %add3A_481 = arith.addi %add3A_479, %add3A_480 : i32
        %broadcast_in_dim3A_482 = vector.broadcast %add3A_481 : i32 to vector<16xi32>
        %select_n3A_483 = arith.select %gt3A_474, %broadcast_in_dim3A_482, %select_n3A_465 : vector<16xi1>, vector<16xi32>
        %mul3A_484 = arith.constant 256 : i32
        %mul3A_485 = arith.muli %scan3A_250, %mul3A_484 : i32
        %add3A_486 = arith.constant 208 : i32
        %add3A_487 = arith.addi %mul3A_485, %add3A_486 : i32
        %get3A_488 = arith.index_cast %scan3A_219 : i32 to index
        %get3A_489 = arith.index_cast %add3A_487 : i32 to index
        %get3A_490 = tpu.vector_load %arg5[%get3A_488, %get3A_489] {strides = array<i32>} : memref<8x6400xf32, #tpu.memory_space<vmem>>, vector<1x16xf32>,
        %get3A_491 = vector.shape_cast %get3A_490 : vector<1x16xf32> to vector<16xf32>
        %gt3A_492 = arith.cmpf ogt, %get3A_491, %select_n3A_475 : vector<16xf32>
        %select_n3A_493 = arith.select %gt3A_492, %get3A_491, %select_n3A_475 : vector<16xi1>, vector<16xf32>
        %mul3A_494 = arith.constant 16 : i32
        %mul3A_495 = arith.muli %scan3A_250, %mul3A_494 : i32
        %add3A_496 = arith.constant 5600 : i32
        %add3A_497 = arith.addi %add3A_496, %mul3A_495 : i32
        %add3A_498 = arith.constant 13 : i32
        %add3A_499 = arith.addi %add3A_497, %add3A_498 : i32
        %broadcast_in_dim3A_500 = vector.broadcast %add3A_499 : i32 to vector<16xi32>
        %select_n3A_501 = arith.select %gt3A_492, %broadcast_in_dim3A_500, %select_n3A_483 : vector<16xi1>, vector<16xi32>
        %mul3A_502 = arith.constant 256 : i32
        %mul3A_503 = arith.muli %scan3A_250, %mul3A_502 : i32
        %add3A_504 = arith.constant 224 : i32
        %add3A_505 = arith.addi %mul3A_503, %add3A_504 : i32
        %get3A_506 = arith.index_cast %scan3A_219 : i32 to index
        %get3A_507 = arith.index_cast %add3A_505 : i32 to index
        %get3A_508 = tpu.vector_load %arg5[%get3A_506, %get3A_507] {strides = array<i32>} : memref<8x6400xf32, #tpu.memory_space<vmem>>, vector<1x16xf32>,
        %get3A_509 = vector.shape_cast %get3A_508 : vector<1x16xf32> to vector<16xf32>
        %gt3A_510 = arith.cmpf ogt, %get3A_509, %select_n3A_493 : vector<16xf32>
        %select_n3A_511 = arith.select %gt3A_510, %get3A_509, %select_n3A_493 : vector<16xi1>, vector<16xf32>
        %mul3A_512 = arith.constant 16 : i32
        %mul3A_513 = arith.muli %scan3A_250, %mul3A_512 : i32
        %add3A_514 = arith.constant 5600 : i32
        %add3A_515 = arith.addi %add3A_514, %mul3A_513 : i32
        %add3A_516 = arith.constant 14 : i32
        %add3A_517 = arith.addi %add3A_515, %add3A_516 : i32
        %broadcast_in_dim3A_518 = vector.broadcast %add3A_517 : i32 to vector<16xi32>
        %select_n3A_519 = arith.select %gt3A_510, %broadcast_in_dim3A_518, %select_n3A_501 : vector<16xi1>, vector<16xi32>
        %mul3A_520 = arith.constant 256 : i32
        %mul3A_521 = arith.muli %scan3A_250, %mul3A_520 : i32
        %add3A_522 = arith.constant 240 : i32
        %add3A_523 = arith.addi %mul3A_521, %add3A_522 : i32
        %get3A_524 = arith.index_cast %scan3A_219 : i32 to index
        %get3A_525 = arith.index_cast %add3A_523 : i32 to index
        %get3A_526 = tpu.vector_load %arg5[%get3A_524, %get3A_525] {strides = array<i32>} : memref<8x6400xf32, #tpu.memory_space<vmem>>, vector<1x16xf32>,
        %get3A_527 = vector.shape_cast %get3A_526 : vector<1x16xf32> to vector<16xf32>
        %gt3A_528 = arith.cmpf ogt, %get3A_527, %select_n3A_511 : vector<16xf32>
        %select_n3A_529 = arith.select %gt3A_528, %get3A_527, %select_n3A_511 : vector<16xi1>, vector<16xf32>
        %mul3A_530 = arith.constant 16 : i32
        %mul3A_531 = arith.muli %scan3A_250, %mul3A_530 : i32
        %add3A_532 = arith.constant 5600 : i32
        %add3A_533 = arith.addi %add3A_532, %mul3A_531 : i32
        %add3A_534 = arith.constant 15 : i32
        %add3A_535 = arith.addi %add3A_533, %add3A_534 : i32
        %broadcast_in_dim3A_536 = vector.broadcast %add3A_535 : i32 to vector<16xi32>
        %select_n3A_537 = arith.select %gt3A_528, %broadcast_in_dim3A_536, %select_n3A_519 : vector<16xi1>, vector<16xi32>
        scf.yield %select_n3A_529, %select_n3A_537 : vector<16xf32>, vector<16xi32>
      }
      %scan3A_236 = arith.constant 25 : i32
      %mul3A_237 = arith.constant 16 : i32
      %mul3A_238 = arith.muli %scan3A_219, %mul3A_237 : i32
      %swap3A_239 = arith.index_cast %mul3A_238 : i32 to index
      %swap3A_240 = tpu.vector_load %arg7[%swap3A_239] {strides = array<i32>} : memref<128xf32, #tpu.memory_space<vmem>>, vector<16xf32>,
      %swap3A_241 = vector.shape_cast %swap3A_240 : vector<16xf32> to vector<16xf32>
      %swap3A_242 = vector.shape_cast %scan3A_235#0 : vector<16xf32> to vector<16xf32>
      tpu.vector_store %arg7[%swap3A_239], %swap3A_242 {strides = array<i32>} : memref<128xf32, #tpu.memory_space<vmem>>, vector<16xf32>,
      %mul3A_243 = arith.constant 16 : i32
      %mul3A_244 = arith.muli %scan3A_219, %mul3A_243 : i32
      %swap3A_245 = arith.index_cast %mul3A_244 : i32 to index
      %swap3A_246 = tpu.vector_load %arg8[%swap3A_245] {strides = array<i32>} : memref<128xi32, #tpu.memory_space<vmem>>, vector<16xi32>,
      %swap3A_247 = vector.shape_cast %swap3A_246 : vector<16xi32> to vector<16xi32>
      %swap3A_248 = vector.shape_cast %scan3A_235#1 : vector<16xi32> to vector<16xi32>
      tpu.vector_store %arg8[%swap3A_245], %swap3A_248 {strides = array<i32>} : memref<128xi32, #tpu.memory_space<vmem>>, vector<16xi32>,
      %scan3A_249 = arith.constant 0 : i32
      scf.yield %scan3A_249 : i32
    }
    %scan3A_51 = arith.constant 8 : i32
    %dma_wait3A_52 = arith.constant 0 : i32
    %dma_wait3A_53 = arith.constant 0 : i32
    %dma_wait3A_54 = tpu.memref_slice %arg6[%dma_wait3A_52, %dma_wait3A_53] : memref<8x6400xf32, #tpu.memory_space<vmem>> -> memref<8x3968xf32, #tpu.memory_space<vmem>>
    %dma_wait3A_55 = arith.constant 0 : i32
    %dma_wait3A_56 = tpu.memref_slice %arg2[%add3A_4, %dma_wait3A_55] : memref<576x100000xf32, #tpu.memory_space<hbm>> -> memref<8x3968xf32, #tpu.memory_space<hbm>>
    %dma_wait3A_57 = arith.constant 0 : i32
    %dma_wait3A_58 = arith.constant 0 : i32
    %dma_wait3A_59 = tpu.memref_slice %arg6[%dma_wait3A_57, %dma_wait3A_58] : memref<8x6400xf32, #tpu.memory_space<vmem>> -> memref<8x3968xf32, #tpu.memory_space<vmem>>
    %dma_wait3A_60 = arith.constant 0 : i32
    %dma_wait3A_61 = tpu.memref_slice %arg2[%add3A_4, %dma_wait3A_60] : memref<576x100000xf32, #tpu.memory_space<hbm>> -> memref<8x3968xf32, #tpu.memory_space<hbm>>
    tpu.wait_dma2 semaphore(%arg12 : memref<!tpu.dma_semaphore, #tpu.memory_space<semaphore_mem>>) src(%dma_wait3A_61 : memref<8x3968xf32, #tpu.memory_space<hbm>>) dst(%dma_wait3A_59 : memref<8x3968xf32, #tpu.memory_space<vmem>>)
    %scan3A_62 = arith.constant 0 : i32
    %scan3A_63 = arith.constant 0 : i32
    %scan3A_64 = arith.constant 8 : i32
    %scan3A_65 = arith.addi %scan3A_63, %scan3A_64 : i32
    %scan3A_66 = arith.constant 1 : i32
    %scan3A_67 = scf.for %scan3A_219 = %scan3A_63 to %scan3A_65 step %scan3A_66 iter_args(%scan3A_220 = %scan3A_62) -> (i32)  : i32 {
      %mul3A_221 = arith.constant 16 : i32
      %mul3A_222 = arith.muli %scan3A_219, %mul3A_221 : i32
      %get3A_223 = arith.index_cast %mul3A_222 : i32 to index
      %get3A_224 = tpu.vector_load %arg7[%get3A_223] {strides = array<i32>} : memref<128xf32, #tpu.memory_space<vmem>>, vector<16xf32>,
      %get3A_225 = vector.shape_cast %get3A_224 : vector<16xf32> to vector<16xf32>
      %mul3A_226 = arith.constant 16 : i32
      %mul3A_227 = arith.muli %scan3A_219, %mul3A_226 : i32
      %get3A_228 = arith.index_cast %mul3A_227 : i32 to index
      %get3A_229 = tpu.vector_load %arg8[%get3A_228] {strides = array<i32>} : memref<128xi32, #tpu.memory_space<vmem>>, vector<16xi32>,
      %get3A_230 = vector.shape_cast %get3A_229 : vector<16xi32> to vector<16xi32>
      %scan3A_231 = arith.constant 0 : i32
      %scan3A_232 = arith.constant 31 : i32
      %scan3A_233 = arith.addi %scan3A_231, %scan3A_232 : i32
      %scan3A_234 = arith.constant 1 : i32
      %scan3A_235:2 = scf.for %scan3A_250 = %scan3A_231 to %scan3A_233 step %scan3A_234 iter_args(%scan3A_251 = %get3A_225, %scan3A_252 = %get3A_230) -> (vector<16xf32>, vector<16xi32>)  : i32 {
        %mul3A_253 = arith.constant 128 : i32
        %mul3A_254 = arith.muli %scan3A_250, %mul3A_253 : i32
        %add3A_255 = arith.constant 0 : i32
        %add3A_256 = arith.addi %mul3A_254, %add3A_255 : i32
        %get3A_257 = arith.index_cast %scan3A_219 : i32 to index
        %get3A_258 = arith.index_cast %add3A_256 : i32 to index
        %get3A_259 = tpu.vector_load %arg6[%get3A_257, %get3A_258] {strides = array<i32>} : memref<8x6400xf32, #tpu.memory_space<vmem>>, vector<1x16xf32>,
        %get3A_260 = vector.shape_cast %get3A_259 : vector<1x16xf32> to vector<16xf32>
        %gt3A = arith.cmpf ogt, %get3A_260, %scan3A_251 : vector<16xf32>
        %select_n3A = arith.select %gt3A, %get3A_260, %scan3A_251 : vector<16xi1>, vector<16xf32>
        %mul3A_261 = arith.constant 8 : i32
        %mul3A_262 = arith.muli %scan3A_250, %mul3A_261 : i32
        %add3A_263 = arith.constant 6000 : i32
        %add3A_264 = arith.addi %add3A_263, %mul3A_262 : i32
        %add3A_265 = arith.constant 0 : i32
        %add3A_266 = arith.addi %add3A_264, %add3A_265 : i32
        %broadcast_in_dim3A = vector.broadcast %add3A_266 : i32 to vector<16xi32>
        %select_n3A_267 = arith.select %gt3A, %broadcast_in_dim3A, %scan3A_252 : vector<16xi1>, vector<16xi32>
        %mul3A_268 = arith.constant 128 : i32
        %mul3A_269 = arith.muli %scan3A_250, %mul3A_268 : i32
        %add3A_270 = arith.constant 16 : i32
        %add3A_271 = arith.addi %mul3A_269, %add3A_270 : i32
        %get3A_272 = arith.index_cast %scan3A_219 : i32 to index
        %get3A_273 = arith.index_cast %add3A_271 : i32 to index
        %get3A_274 = tpu.vector_load %arg6[%get3A_272, %get3A_273] {strides = array<i32>} : memref<8x6400xf32, #tpu.memory_space<vmem>>, vector<1x16xf32>,
        %get3A_275 = vector.shape_cast %get3A_274 : vector<1x16xf32> to vector<16xf32>
        %gt3A_276 = arith.cmpf ogt, %get3A_275, %select_n3A : vector<16xf32>
        %select_n3A_277 = arith.select %gt3A_276, %get3A_275, %select_n3A : vector<16xi1>, vector<16xf32>
        %mul3A_278 = arith.constant 8 : i32
        %mul3A_279 = arith.muli %scan3A_250, %mul3A_278 : i32
        %add3A_280 = arith.constant 6000 : i32
        %add3A_281 = arith.addi %add3A_280, %mul3A_279 : i32
        %add3A_282 = arith.constant 1 : i32
        %add3A_283 = arith.addi %add3A_281, %add3A_282 : i32
        %broadcast_in_dim3A_284 = vector.broadcast %add3A_283 : i32 to vector<16xi32>
        %select_n3A_285 = arith.select %gt3A_276, %broadcast_in_dim3A_284, %select_n3A_267 : vector<16xi1>, vector<16xi32>
        %mul3A_286 = arith.constant 128 : i32
        %mul3A_287 = arith.muli %scan3A_250, %mul3A_286 : i32
        %add3A_288 = arith.constant 32 : i32
        %add3A_289 = arith.addi %mul3A_287, %add3A_288 : i32
        %get3A_290 = arith.index_cast %scan3A_219 : i32 to index
        %get3A_291 = arith.index_cast %add3A_289 : i32 to index
        %get3A_292 = tpu.vector_load %arg6[%get3A_290, %get3A_291] {strides = array<i32>} : memref<8x6400xf32, #tpu.memory_space<vmem>>, vector<1x16xf32>,
        %get3A_293 = vector.shape_cast %get3A_292 : vector<1x16xf32> to vector<16xf32>
        %gt3A_294 = arith.cmpf ogt, %get3A_293, %select_n3A_277 : vector<16xf32>
        %select_n3A_295 = arith.select %gt3A_294, %get3A_293, %select_n3A_277 : vector<16xi1>, vector<16xf32>
        %mul3A_296 = arith.constant 8 : i32
        %mul3A_297 = arith.muli %scan3A_250, %mul3A_296 : i32
        %add3A_298 = arith.constant 6000 : i32
        %add3A_299 = arith.addi %add3A_298, %mul3A_297 : i32
        %add3A_300 = arith.constant 2 : i32
        %add3A_301 = arith.addi %add3A_299, %add3A_300 : i32
        %broadcast_in_dim3A_302 = vector.broadcast %add3A_301 : i32 to vector<16xi32>
        %select_n3A_303 = arith.select %gt3A_294, %broadcast_in_dim3A_302, %select_n3A_285 : vector<16xi1>, vector<16xi32>
        %mul3A_304 = arith.constant 128 : i32
        %mul3A_305 = arith.muli %scan3A_250, %mul3A_304 : i32
        %add3A_306 = arith.constant 48 : i32
        %add3A_307 = arith.addi %mul3A_305, %add3A_306 : i32
        %get3A_308 = arith.index_cast %scan3A_219 : i32 to index
        %get3A_309 = arith.index_cast %add3A_307 : i32 to index
        %get3A_310 = tpu.vector_load %arg6[%get3A_308, %get3A_309] {strides = array<i32>} : memref<8x6400xf32, #tpu.memory_space<vmem>>, vector<1x16xf32>,
        %get3A_311 = vector.shape_cast %get3A_310 : vector<1x16xf32> to vector<16xf32>
        %gt3A_312 = arith.cmpf ogt, %get3A_311, %select_n3A_295 : vector<16xf32>
        %select_n3A_313 = arith.select %gt3A_312, %get3A_311, %select_n3A_295 : vector<16xi1>, vector<16xf32>
        %mul3A_314 = arith.constant 8 : i32
        %mul3A_315 = arith.muli %scan3A_250, %mul3A_314 : i32
        %add3A_316 = arith.constant 6000 : i32
        %add3A_317 = arith.addi %add3A_316, %mul3A_315 : i32
        %add3A_318 = arith.constant 3 : i32
        %add3A_319 = arith.addi %add3A_317, %add3A_318 : i32
        %broadcast_in_dim3A_320 = vector.broadcast %add3A_319 : i32 to vector<16xi32>
        %select_n3A_321 = arith.select %gt3A_312, %broadcast_in_dim3A_320, %select_n3A_303 : vector<16xi1>, vector<16xi32>
        %mul3A_322 = arith.constant 128 : i32
        %mul3A_323 = arith.muli %scan3A_250, %mul3A_322 : i32
        %add3A_324 = arith.constant 64 : i32
        %add3A_325 = arith.addi %mul3A_323, %add3A_324 : i32
        %get3A_326 = arith.index_cast %scan3A_219 : i32 to index
        %get3A_327 = arith.index_cast %add3A_325 : i32 to index
        %get3A_328 = tpu.vector_load %arg6[%get3A_326, %get3A_327] {strides = array<i32>} : memref<8x6400xf32, #tpu.memory_space<vmem>>, vector<1x16xf32>,
        %get3A_329 = vector.shape_cast %get3A_328 : vector<1x16xf32> to vector<16xf32>
        %gt3A_330 = arith.cmpf ogt, %get3A_329, %select_n3A_313 : vector<16xf32>
        %select_n3A_331 = arith.select %gt3A_330, %get3A_329, %select_n3A_313 : vector<16xi1>, vector<16xf32>
        %mul3A_332 = arith.constant 8 : i32
        %mul3A_333 = arith.muli %scan3A_250, %mul3A_332 : i32
        %add3A_334 = arith.constant 6000 : i32
        %add3A_335 = arith.addi %add3A_334, %mul3A_333 : i32
        %add3A_336 = arith.constant 4 : i32
        %add3A_337 = arith.addi %add3A_335, %add3A_336 : i32
        %broadcast_in_dim3A_338 = vector.broadcast %add3A_337 : i32 to vector<16xi32>
        %select_n3A_339 = arith.select %gt3A_330, %broadcast_in_dim3A_338, %select_n3A_321 : vector<16xi1>, vector<16xi32>
        %mul3A_340 = arith.constant 128 : i32
        %mul3A_341 = arith.muli %scan3A_250, %mul3A_340 : i32
        %add3A_342 = arith.constant 80 : i32
        %add3A_343 = arith.addi %mul3A_341, %add3A_342 : i32
        %get3A_344 = arith.index_cast %scan3A_219 : i32 to index
        %get3A_345 = arith.index_cast %add3A_343 : i32 to index
        %get3A_346 = tpu.vector_load %arg6[%get3A_344, %get3A_345] {strides = array<i32>} : memref<8x6400xf32, #tpu.memory_space<vmem>>, vector<1x16xf32>,
        %get3A_347 = vector.shape_cast %get3A_346 : vector<1x16xf32> to vector<16xf32>
        %gt3A_348 = arith.cmpf ogt, %get3A_347, %select_n3A_331 : vector<16xf32>
        %select_n3A_349 = arith.select %gt3A_348, %get3A_347, %select_n3A_331 : vector<16xi1>, vector<16xf32>
        %mul3A_350 = arith.constant 8 : i32
        %mul3A_351 = arith.muli %scan3A_250, %mul3A_350 : i32
        %add3A_352 = arith.constant 6000 : i32
        %add3A_353 = arith.addi %add3A_352, %mul3A_351 : i32
        %add3A_354 = arith.constant 5 : i32
        %add3A_355 = arith.addi %add3A_353, %add3A_354 : i32
        %broadcast_in_dim3A_356 = vector.broadcast %add3A_355 : i32 to vector<16xi32>
        %select_n3A_357 = arith.select %gt3A_348, %broadcast_in_dim3A_356, %select_n3A_339 : vector<16xi1>, vector<16xi32>
        %mul3A_358 = arith.constant 128 : i32
        %mul3A_359 = arith.muli %scan3A_250, %mul3A_358 : i32
        %add3A_360 = arith.constant 96 : i32
        %add3A_361 = arith.addi %mul3A_359, %add3A_360 : i32
        %get3A_362 = arith.index_cast %scan3A_219 : i32 to index
        %get3A_363 = arith.index_cast %add3A_361 : i32 to index
        %get3A_364 = tpu.vector_load %arg6[%get3A_362, %get3A_363] {strides = array<i32>} : memref<8x6400xf32, #tpu.memory_space<vmem>>, vector<1x16xf32>,
        %get3A_365 = vector.shape_cast %get3A_364 : vector<1x16xf32> to vector<16xf32>
        %gt3A_366 = arith.cmpf ogt, %get3A_365, %select_n3A_349 : vector<16xf32>
        %select_n3A_367 = arith.select %gt3A_366, %get3A_365, %select_n3A_349 : vector<16xi1>, vector<16xf32>
        %mul3A_368 = arith.constant 8 : i32
        %mul3A_369 = arith.muli %scan3A_250, %mul3A_368 : i32
        %add3A_370 = arith.constant 6000 : i32
        %add3A_371 = arith.addi %add3A_370, %mul3A_369 : i32
        %add3A_372 = arith.constant 6 : i32
        %add3A_373 = arith.addi %add3A_371, %add3A_372 : i32
        %broadcast_in_dim3A_374 = vector.broadcast %add3A_373 : i32 to vector<16xi32>
        %select_n3A_375 = arith.select %gt3A_366, %broadcast_in_dim3A_374, %select_n3A_357 : vector<16xi1>, vector<16xi32>
        %mul3A_376 = arith.constant 128 : i32
        %mul3A_377 = arith.muli %scan3A_250, %mul3A_376 : i32
        %add3A_378 = arith.constant 112 : i32
        %add3A_379 = arith.addi %mul3A_377, %add3A_378 : i32
        %get3A_380 = arith.index_cast %scan3A_219 : i32 to index
        %get3A_381 = arith.index_cast %add3A_379 : i32 to index
        %get3A_382 = tpu.vector_load %arg6[%get3A_380, %get3A_381] {strides = array<i32>} : memref<8x6400xf32, #tpu.memory_space<vmem>>, vector<1x16xf32>,
        %get3A_383 = vector.shape_cast %get3A_382 : vector<1x16xf32> to vector<16xf32>
        %gt3A_384 = arith.cmpf ogt, %get3A_383, %select_n3A_367 : vector<16xf32>
        %select_n3A_385 = arith.select %gt3A_384, %get3A_383, %select_n3A_367 : vector<16xi1>, vector<16xf32>
        %mul3A_386 = arith.constant 8 : i32
        %mul3A_387 = arith.muli %scan3A_250, %mul3A_386 : i32
        %add3A_388 = arith.constant 6000 : i32
        %add3A_389 = arith.addi %add3A_388, %mul3A_387 : i32
        %add3A_390 = arith.constant 7 : i32
        %add3A_391 = arith.addi %add3A_389, %add3A_390 : i32
        %broadcast_in_dim3A_392 = vector.broadcast %add3A_391 : i32 to vector<16xi32>
        %select_n3A_393 = arith.select %gt3A_384, %broadcast_in_dim3A_392, %select_n3A_375 : vector<16xi1>, vector<16xi32>
        scf.yield %select_n3A_385, %select_n3A_393 : vector<16xf32>, vector<16xi32>
      }
      %scan3A_236 = arith.constant 31 : i32
      %mul3A_237 = arith.constant 16 : i32
      %mul3A_238 = arith.muli %scan3A_219, %mul3A_237 : i32
      %swap3A_239 = arith.index_cast %mul3A_238 : i32 to index
      %swap3A_240 = tpu.vector_load %arg7[%swap3A_239] {strides = array<i32>} : memref<128xf32, #tpu.memory_space<vmem>>, vector<16xf32>,
      %swap3A_241 = vector.shape_cast %swap3A_240 : vector<16xf32> to vector<16xf32>
      %swap3A_242 = vector.shape_cast %scan3A_235#0 : vector<16xf32> to vector<16xf32>
      tpu.vector_store %arg7[%swap3A_239], %swap3A_242 {strides = array<i32>} : memref<128xf32, #tpu.memory_space<vmem>>, vector<16xf32>,
      %mul3A_243 = arith.constant 16 : i32
      %mul3A_244 = arith.muli %scan3A_219, %mul3A_243 : i32
      %swap3A_245 = arith.index_cast %mul3A_244 : i32 to index
      %swap3A_246 = tpu.vector_load %arg8[%swap3A_245] {strides = array<i32>} : memref<128xi32, #tpu.memory_space<vmem>>, vector<16xi32>,
      %swap3A_247 = vector.shape_cast %swap3A_246 : vector<16xi32> to vector<16xi32>
      %swap3A_248 = vector.shape_cast %scan3A_235#1 : vector<16xi32> to vector<16xi32>
      tpu.vector_store %arg8[%swap3A_245], %swap3A_248 {strides = array<i32>} : memref<128xi32, #tpu.memory_space<vmem>>, vector<16xi32>,
      %scan3A_249 = arith.constant 0 : i32
      scf.yield %scan3A_249 : i32
    }
    %scan3A_68 = arith.constant 8 : i32
    %get3A = arith.constant 0 : index
    %get3A_69 = tpu.vector_load %arg8[%get3A] {strides = array<i32>} : memref<128xi32, #tpu.memory_space<vmem>>, vector<16xi32>,
    %get3A_70 = vector.shape_cast %get3A_69 : vector<16xi32> to vector<16xi32>
    %mul3A_71 = arith.constant 16 : i32
    %mul3A_72 = vector.broadcast %mul3A_71 : i32 to vector<16xi32>
    %mul3A_73 = arith.muli %get3A_70, %mul3A_72 : vector<16xi32>
    %add3A_74 = arith.addi %mul3A_73, %iota3A : vector<16xi32>
    %swap3A = arith.constant 0 : index
    %swap3A_75 = tpu.vector_load %arg9[%swap3A] {strides = array<i32>} : memref<128xi32, #tpu.memory_space<vmem>>, vector<16xi32>,
    %swap3A_76 = vector.shape_cast %swap3A_75 : vector<16xi32> to vector<16xi32>
    %swap3A_77 = vector.shape_cast %add3A_74 : vector<16xi32> to vector<16xi32>
    tpu.vector_store %arg9[%swap3A], %swap3A_77 {strides = array<i32>} : memref<128xi32, #tpu.memory_space<vmem>>, vector<16xi32>,
    %get3A_78 = arith.constant 0 : index
    %get3A_79 = tpu.vector_load %arg7[%get3A_78] {strides = array<i32>} : memref<128xf32, #tpu.memory_space<vmem>>, vector<16xf32>,
    %get3A_80 = vector.shape_cast %get3A_79 : vector<16xf32> to vector<16xf32>
    %swap3A_81 = arith.constant 0 : index
    %swap3A_82 = tpu.vector_load %arg10[%swap3A_81] {strides = array<i32>} : memref<128xf32, #tpu.memory_space<vmem>>, vector<16xf32>,
    %swap3A_83 = vector.shape_cast %swap3A_82 : vector<16xf32> to vector<16xf32>
    %swap3A_84 = vector.shape_cast %get3A_80 : vector<16xf32> to vector<16xf32>
    tpu.vector_store %arg10[%swap3A_81], %swap3A_84 {strides = array<i32>} : memref<128xf32, #tpu.memory_space<vmem>>, vector<16xf32>,
    %get3A_85 = arith.constant 16 : index
    %get3A_86 = tpu.vector_load %arg8[%get3A_85] {strides = array<i32>} : memref<128xi32, #tpu.memory_space<vmem>>, vector<16xi32>,
    %get3A_87 = vector.shape_cast %get3A_86 : vector<16xi32> to vector<16xi32>
    %mul3A_88 = arith.constant 16 : i32
    %mul3A_89 = vector.broadcast %mul3A_88 : i32 to vector<16xi32>
    %mul3A_90 = arith.muli %get3A_87, %mul3A_89 : vector<16xi32>
    %add3A_91 = arith.addi %mul3A_90, %iota3A : vector<16xi32>
    %swap3A_92 = arith.constant 16 : index
    %swap3A_93 = tpu.vector_load %arg9[%swap3A_92] {strides = array<i32>} : memref<128xi32, #tpu.memory_space<vmem>>, vector<16xi32>,
    %swap3A_94 = vector.shape_cast %swap3A_93 : vector<16xi32> to vector<16xi32>
    %swap3A_95 = vector.shape_cast %add3A_91 : vector<16xi32> to vector<16xi32>
    tpu.vector_store %arg9[%swap3A_92], %swap3A_95 {strides = array<i32>} : memref<128xi32, #tpu.memory_space<vmem>>, vector<16xi32>,
    %get3A_96 = arith.constant 16 : index
    %get3A_97 = tpu.vector_load %arg7[%get3A_96] {strides = array<i32>} : memref<128xf32, #tpu.memory_space<vmem>>, vector<16xf32>,
    %get3A_98 = vector.shape_cast %get3A_97 : vector<16xf32> to vector<16xf32>
    %swap3A_99 = arith.constant 16 : index
    %swap3A_100 = tpu.vector_load %arg10[%swap3A_99] {strides = array<i32>} : memref<128xf32, #tpu.memory_space<vmem>>, vector<16xf32>,
    %swap3A_101 = vector.shape_cast %swap3A_100 : vector<16xf32> to vector<16xf32>
    %swap3A_102 = vector.shape_cast %get3A_98 : vector<16xf32> to vector<16xf32>
    tpu.vector_store %arg10[%swap3A_99], %swap3A_102 {strides = array<i32>} : memref<128xf32, #tpu.memory_space<vmem>>, vector<16xf32>,
    %get3A_103 = arith.constant 32 : index
    %get3A_104 = tpu.vector_load %arg8[%get3A_103] {strides = array<i32>} : memref<128xi32, #tpu.memory_space<vmem>>, vector<16xi32>,
    %get3A_105 = vector.shape_cast %get3A_104 : vector<16xi32> to vector<16xi32>
    %mul3A_106 = arith.constant 16 : i32
    %mul3A_107 = vector.broadcast %mul3A_106 : i32 to vector<16xi32>
    %mul3A_108 = arith.muli %get3A_105, %mul3A_107 : vector<16xi32>
    %add3A_109 = arith.addi %mul3A_108, %iota3A : vector<16xi32>
    %swap3A_110 = arith.constant 32 : index
    %swap3A_111 = tpu.vector_load %arg9[%swap3A_110] {strides = array<i32>} : memref<128xi32, #tpu.memory_space<vmem>>, vector<16xi32>,
    %swap3A_112 = vector.shape_cast %swap3A_111 : vector<16xi32> to vector<16xi32>
    %swap3A_113 = vector.shape_cast %add3A_109 : vector<16xi32> to vector<16xi32>
    tpu.vector_store %arg9[%swap3A_110], %swap3A_113 {strides = array<i32>} : memref<128xi32, #tpu.memory_space<vmem>>, vector<16xi32>,
    %get3A_114 = arith.constant 32 : index
    %get3A_115 = tpu.vector_load %arg7[%get3A_114] {strides = array<i32>} : memref<128xf32, #tpu.memory_space<vmem>>, vector<16xf32>,
    %get3A_116 = vector.shape_cast %get3A_115 : vector<16xf32> to vector<16xf32>
    %swap3A_117 = arith.constant 32 : index
    %swap3A_118 = tpu.vector_load %arg10[%swap3A_117] {strides = array<i32>} : memref<128xf32, #tpu.memory_space<vmem>>, vector<16xf32>,
    %swap3A_119 = vector.shape_cast %swap3A_118 : vector<16xf32> to vector<16xf32>
    %swap3A_120 = vector.shape_cast %get3A_116 : vector<16xf32> to vector<16xf32>
    tpu.vector_store %arg10[%swap3A_117], %swap3A_120 {strides = array<i32>} : memref<128xf32, #tpu.memory_space<vmem>>, vector<16xf32>,
    %get3A_121 = arith.constant 48 : index
    %get3A_122 = tpu.vector_load %arg8[%get3A_121] {strides = array<i32>} : memref<128xi32, #tpu.memory_space<vmem>>, vector<16xi32>,
    %get3A_123 = vector.shape_cast %get3A_122 : vector<16xi32> to vector<16xi32>
    %mul3A_124 = arith.constant 16 : i32
    %mul3A_125 = vector.broadcast %mul3A_124 : i32 to vector<16xi32>
    %mul3A_126 = arith.muli %get3A_123, %mul3A_125 : vector<16xi32>
    %add3A_127 = arith.addi %mul3A_126, %iota3A : vector<16xi32>
    %swap3A_128 = arith.constant 48 : index
    %swap3A_129 = tpu.vector_load %arg9[%swap3A_128] {strides = array<i32>} : memref<128xi32, #tpu.memory_space<vmem>>, vector<16xi32>,
    %swap3A_130 = vector.shape_cast %swap3A_129 : vector<16xi32> to vector<16xi32>
    %swap3A_131 = vector.shape_cast %add3A_127 : vector<16xi32> to vector<16xi32>
    tpu.vector_store %arg9[%swap3A_128], %swap3A_131 {strides = array<i32>} : memref<128xi32, #tpu.memory_space<vmem>>, vector<16xi32>,
    %get3A_132 = arith.constant 48 : index
    %get3A_133 = tpu.vector_load %arg7[%get3A_132] {strides = array<i32>} : memref<128xf32, #tpu.memory_space<vmem>>, vector<16xf32>,
    %get3A_134 = vector.shape_cast %get3A_133 : vector<16xf32> to vector<16xf32>
    %swap3A_135 = arith.constant 48 : index
    %swap3A_136 = tpu.vector_load %arg10[%swap3A_135] {strides = array<i32>} : memref<128xf32, #tpu.memory_space<vmem>>, vector<16xf32>,
    %swap3A_137 = vector.shape_cast %swap3A_136 : vector<16xf32> to vector<16xf32>
    %swap3A_138 = vector.shape_cast %get3A_134 : vector<16xf32> to vector<16xf32>
    tpu.vector_store %arg10[%swap3A_135], %swap3A_138 {strides = array<i32>} : memref<128xf32, #tpu.memory_space<vmem>>, vector<16xf32>,
    %get3A_139 = arith.constant 64 : index
    %get3A_140 = tpu.vector_load %arg8[%get3A_139] {strides = array<i32>} : memref<128xi32, #tpu.memory_space<vmem>>, vector<16xi32>,
    %get3A_141 = vector.shape_cast %get3A_140 : vector<16xi32> to vector<16xi32>
    %mul3A_142 = arith.constant 16 : i32
    %mul3A_143 = vector.broadcast %mul3A_142 : i32 to vector<16xi32>
    %mul3A_144 = arith.muli %get3A_141, %mul3A_143 : vector<16xi32>
    %add3A_145 = arith.addi %mul3A_144, %iota3A : vector<16xi32>
    %swap3A_146 = arith.constant 64 : index
    %swap3A_147 = tpu.vector_load %arg9[%swap3A_146] {strides = array<i32>} : memref<128xi32, #tpu.memory_space<vmem>>, vector<16xi32>,
    %swap3A_148 = vector.shape_cast %swap3A_147 : vector<16xi32> to vector<16xi32>
    %swap3A_149 = vector.shape_cast %add3A_145 : vector<16xi32> to vector<16xi32>
    tpu.vector_store %arg9[%swap3A_146], %swap3A_149 {strides = array<i32>} : memref<128xi32, #tpu.memory_space<vmem>>, vector<16xi32>,
    %get3A_150 = arith.constant 64 : index
    %get3A_151 = tpu.vector_load %arg7[%get3A_150] {strides = array<i32>} : memref<128xf32, #tpu.memory_space<vmem>>, vector<16xf32>,
    %get3A_152 = vector.shape_cast %get3A_151 : vector<16xf32> to vector<16xf32>
    %swap3A_153 = arith.constant 64 : index
    %swap3A_154 = tpu.vector_load %arg10[%swap3A_153] {strides = array<i32>} : memref<128xf32, #tpu.memory_space<vmem>>, vector<16xf32>,
    %swap3A_155 = vector.shape_cast %swap3A_154 : vector<16xf32> to vector<16xf32>
    %swap3A_156 = vector.shape_cast %get3A_152 : vector<16xf32> to vector<16xf32>
    tpu.vector_store %arg10[%swap3A_153], %swap3A_156 {strides = array<i32>} : memref<128xf32, #tpu.memory_space<vmem>>, vector<16xf32>,
    %get3A_157 = arith.constant 80 : index
    %get3A_158 = tpu.vector_load %arg8[%get3A_157] {strides = array<i32>} : memref<128xi32, #tpu.memory_space<vmem>>, vector<16xi32>,
    %get3A_159 = vector.shape_cast %get3A_158 : vector<16xi32> to vector<16xi32>
    %mul3A_160 = arith.constant 16 : i32
    %mul3A_161 = vector.broadcast %mul3A_160 : i32 to vector<16xi32>
    %mul3A_162 = arith.muli %get3A_159, %mul3A_161 : vector<16xi32>
    %add3A_163 = arith.addi %mul3A_162, %iota3A : vector<16xi32>
    %swap3A_164 = arith.constant 80 : index
    %swap3A_165 = tpu.vector_load %arg9[%swap3A_164] {strides = array<i32>} : memref<128xi32, #tpu.memory_space<vmem>>, vector<16xi32>,
    %swap3A_166 = vector.shape_cast %swap3A_165 : vector<16xi32> to vector<16xi32>
    %swap3A_167 = vector.shape_cast %add3A_163 : vector<16xi32> to vector<16xi32>
    tpu.vector_store %arg9[%swap3A_164], %swap3A_167 {strides = array<i32>} : memref<128xi32, #tpu.memory_space<vmem>>, vector<16xi32>,
    %get3A_168 = arith.constant 80 : index
    %get3A_169 = tpu.vector_load %arg7[%get3A_168] {strides = array<i32>} : memref<128xf32, #tpu.memory_space<vmem>>, vector<16xf32>,
    %get3A_170 = vector.shape_cast %get3A_169 : vector<16xf32> to vector<16xf32>
    %swap3A_171 = arith.constant 80 : index
    %swap3A_172 = tpu.vector_load %arg10[%swap3A_171] {strides = array<i32>} : memref<128xf32, #tpu.memory_space<vmem>>, vector<16xf32>,
    %swap3A_173 = vector.shape_cast %swap3A_172 : vector<16xf32> to vector<16xf32>
    %swap3A_174 = vector.shape_cast %get3A_170 : vector<16xf32> to vector<16xf32>
    tpu.vector_store %arg10[%swap3A_171], %swap3A_174 {strides = array<i32>} : memref<128xf32, #tpu.memory_space<vmem>>, vector<16xf32>,
    %get3A_175 = arith.constant 96 : index
    %get3A_176 = tpu.vector_load %arg8[%get3A_175] {strides = array<i32>} : memref<128xi32, #tpu.memory_space<vmem>>, vector<16xi32>,
    %get3A_177 = vector.shape_cast %get3A_176 : vector<16xi32> to vector<16xi32>
    %mul3A_178 = arith.constant 16 : i32
    %mul3A_179 = vector.broadcast %mul3A_178 : i32 to vector<16xi32>
    %mul3A_180 = arith.muli %get3A_177, %mul3A_179 : vector<16xi32>
    %add3A_181 = arith.addi %mul3A_180, %iota3A : vector<16xi32>
    %swap3A_182 = arith.constant 96 : index
    %swap3A_183 = tpu.vector_load %arg9[%swap3A_182] {strides = array<i32>} : memref<128xi32, #tpu.memory_space<vmem>>, vector<16xi32>,
    %swap3A_184 = vector.shape_cast %swap3A_183 : vector<16xi32> to vector<16xi32>
    %swap3A_185 = vector.shape_cast %add3A_181 : vector<16xi32> to vector<16xi32>
    tpu.vector_store %arg9[%swap3A_182], %swap3A_185 {strides = array<i32>} : memref<128xi32, #tpu.memory_space<vmem>>, vector<16xi32>,
    %get3A_186 = arith.constant 96 : index
    %get3A_187 = tpu.vector_load %arg7[%get3A_186] {strides = array<i32>} : memref<128xf32, #tpu.memory_space<vmem>>, vector<16xf32>,
    %get3A_188 = vector.shape_cast %get3A_187 : vector<16xf32> to vector<16xf32>
    %swap3A_189 = arith.constant 96 : index
    %swap3A_190 = tpu.vector_load %arg10[%swap3A_189] {strides = array<i32>} : memref<128xf32, #tpu.memory_space<vmem>>, vector<16xf32>,
    %swap3A_191 = vector.shape_cast %swap3A_190 : vector<16xf32> to vector<16xf32>
    %swap3A_192 = vector.shape_cast %get3A_188 : vector<16xf32> to vector<16xf32>
    tpu.vector_store %arg10[%swap3A_189], %swap3A_192 {strides = array<i32>} : memref<128xf32, #tpu.memory_space<vmem>>, vector<16xf32>,
    %get3A_193 = arith.constant 112 : index
    %get3A_194 = tpu.vector_load %arg8[%get3A_193] {strides = array<i32>} : memref<128xi32, #tpu.memory_space<vmem>>, vector<16xi32>,
    %get3A_195 = vector.shape_cast %get3A_194 : vector<16xi32> to vector<16xi32>
    %mul3A_196 = arith.constant 16 : i32
    %mul3A_197 = vector.broadcast %mul3A_196 : i32 to vector<16xi32>
    %mul3A_198 = arith.muli %get3A_195, %mul3A_197 : vector<16xi32>
    %add3A_199 = arith.addi %mul3A_198, %iota3A : vector<16xi32>
    %swap3A_200 = arith.constant 112 : index
    %swap3A_201 = tpu.vector_load %arg9[%swap3A_200] {strides = array<i32>} : memref<128xi32, #tpu.memory_space<vmem>>, vector<16xi32>,
    %swap3A_202 = vector.shape_cast %swap3A_201 : vector<16xi32> to vector<16xi32>
    %swap3A_203 = vector.shape_cast %add3A_199 : vector<16xi32> to vector<16xi32>
    tpu.vector_store %arg9[%swap3A_200], %swap3A_203 {strides = array<i32>} : memref<128xi32, #tpu.memory_space<vmem>>, vector<16xi32>,
    %get3A_204 = arith.constant 112 : index
    %get3A_205 = tpu.vector_load %arg7[%get3A_204] {strides = array<i32>} : memref<128xf32, #tpu.memory_space<vmem>>, vector<16xf32>,
    %get3A_206 = vector.shape_cast %get3A_205 : vector<16xf32> to vector<16xf32>
    %swap3A_207 = arith.constant 112 : index
    %swap3A_208 = tpu.vector_load %arg10[%swap3A_207] {strides = array<i32>} : memref<128xf32, #tpu.memory_space<vmem>>, vector<16xf32>,
    %swap3A_209 = vector.shape_cast %swap3A_208 : vector<16xf32> to vector<16xf32>
    %swap3A_210 = vector.shape_cast %get3A_206 : vector<16xf32> to vector<16xf32>
    tpu.vector_store %arg10[%swap3A_207], %swap3A_210 {strides = array<i32>} : memref<128xf32, #tpu.memory_space<vmem>>, vector<16xf32>,
    %mul3A_211 = arith.constant 8 : i32
    %mul3A_212 = arith.muli %add3A, %mul3A_211 : i32
    %mul3A_213 = arith.constant 16 : i32
    %mul3A_214 = arith.muli %mul3A_212, %mul3A_213 : i32
    "tpu.region"() ({
      %run_scoped3A = tpu.sem_alloc : memref<!tpu.dma_semaphore, #tpu.memory_space<semaphore_mem>>
      %dma_start3A_219 = tpu.memref_slice %arg3[%mul3A_214] : memref<4096xi32, #tpu.memory_space<hbm>> -> memref<128xi32, #tpu.memory_space<hbm>>
      %dma_start3A_220 = tpu.memref_slice %arg3[%mul3A_214] : memref<4096xi32, #tpu.memory_space<hbm>> -> memref<128xi32, #tpu.memory_space<hbm>>
      tpu.enqueue_dma source(%arg9 : memref<128xi32, #tpu.memory_space<vmem>>) target(%dma_start3A_220 : memref<128xi32, #tpu.memory_space<hbm>>) target_semaphore(%run_scoped3A : memref<!tpu.dma_semaphore, #tpu.memory_space<semaphore_mem>>)
      %dma_wait3A_221 = tpu.memref_slice %arg3[%mul3A_214] : memref<4096xi32, #tpu.memory_space<hbm>> -> memref<128xi32, #tpu.memory_space<hbm>>
      %dma_wait3A_222 = tpu.memref_slice %arg3[%mul3A_214] : memref<4096xi32, #tpu.memory_space<hbm>> -> memref<128xi32, #tpu.memory_space<hbm>>
      tpu.wait_dma2 semaphore(%run_scoped3A : memref<!tpu.dma_semaphore, #tpu.memory_space<semaphore_mem>>) src(%arg9 : memref<128xi32, #tpu.memory_space<vmem>>) dst(%dma_wait3A_222 : memref<128xi32, #tpu.memory_space<hbm>>)
      tpu.yield
    }) : () -> ()
    %mul3A_215 = arith.constant 8 : i32
    %mul3A_216 = arith.muli %add3A, %mul3A_215 : i32
    %mul3A_217 = arith.constant 16 : i32
    %mul3A_218 = arith.muli %mul3A_216, %mul3A_217 : i32
    "tpu.region"() ({
      %run_scoped3A = tpu.sem_alloc : memref<!tpu.dma_semaphore, #tpu.memory_space<semaphore_mem>>
      %dma_start3A_219 = tpu.memref_slice %arg4[%mul3A_218] : memref<4096xf32, #tpu.memory_space<hbm>> -> memref<128xf32, #tpu.memory_space<hbm>>
      %dma_start3A_220 = tpu.memref_slice %arg4[%mul3A_218] : memref<4096xf32, #tpu.memory_space<hbm>> -> memref<128xf32, #tpu.memory_space<hbm>>
      tpu.enqueue_dma source(%arg10 : memref<128xf32, #tpu.memory_space<vmem>>) target(%dma_start3A_220 : memref<128xf32, #tpu.memory_space<hbm>>) target_semaphore(%run_scoped3A : memref<!tpu.dma_semaphore, #tpu.memory_space<semaphore_mem>>)
      %dma_wait3A_221 = tpu.memref_slice %arg4[%mul3A_218] : memref<4096xf32, #tpu.memory_space<hbm>> -> memref<128xf32, #tpu.memory_space<hbm>>
      %dma_wait3A_222 = tpu.memref_slice %arg4[%mul3A_218] : memref<4096xf32, #tpu.memory_space<hbm>> -> memref<128xf32, #tpu.memory_space<hbm>>
      tpu.wait_dma2 semaphore(%run_scoped3A : memref<!tpu.dma_semaphore, #tpu.memory_space<semaphore_mem>>) src(%arg10 : memref<128xf32, #tpu.memory_space<vmem>>) dst(%dma_wait3A_222 : memref<128xf32, #tpu.memory_space<hbm>>)
      tpu.yield
    }) : () -> ()
    return
  }
}

module attributes {stable_mosaic.version = 14 : i64} {
  func.func @_merge_body(%arg0: i32, %arg1: memref<576x128xf32, #tpu.memory_space<vmem>>, %arg2: memref<256x16xf32, #tpu.memory_space<vmem>>, %arg3: memref<256x16xi32, #tpu.memory_space<vmem>>, %arg4: memref<256x1xi32, #tpu.memory_space<vmem>>) attributes {dimension_semantics = [#tpu.dimension_semantics<arbitrary>], iteration_bounds = array<i64: 1>, scalar_prefetch = 0 : i64, scratch_operands = 0 : i64, tpu.core_type = #tpu.core_type<tc>, window_params = [{transform_indices = @transform_0, window_bounds = array<i64: 576, 128>}, {pipeline_mode = #tpu.pipeline_mode<synchronous>, transform_indices = @transform_1, window_bounds = array<i64: 256, 16>}, {pipeline_mode = #tpu.pipeline_mode<synchronous>, transform_indices = @transform_2, window_bounds = array<i64: 256, 16>}, {pipeline_mode = #tpu.pipeline_mode<synchronous>, transform_indices = @transform_3, window_bounds = array<i64: 256, 1>}]} {
    %get3A = arith.constant 0 : index
    %get3A_0 = arith.constant 0 : index
    %get3A_1 = vector.load %arg2[%get3A, %get3A_0] : memref<256x16xf32, #tpu.memory_space<vmem>>, vector<256x16xf32>
    %reduce_max3A = arith.constant dense<0xFF800000> : vector<256xf32>
    %reduce_max3A_2 = vector.multi_reduction <maximumf>, %get3A_1, %reduce_max3A [1] : vector<256x16xf32> to vector<256xf32>
    %broadcast_in_dim3A = vector.shape_cast %reduce_max3A_2 : vector<256xf32> to vector<256x1xf32>
    %eq3A = vector.broadcast %broadcast_in_dim3A : vector<256x1xf32> to vector<256x16xf32>
    %eq3A_3 = arith.cmpf oeq, %get3A_1, %eq3A : vector<256x16xf32>
    %get3A_4 = arith.constant 0 : index
    %get3A_5 = arith.constant 0 : index
    %get3A_6 = vector.load %arg3[%get3A_4, %get3A_5] : memref<256x16xi32, #tpu.memory_space<vmem>>, vector<256x16xi32>
    %jit3A = arith.constant 2147483647 : i32
    %broadcast_in_dim3A_7 = vector.broadcast %jit3A : i32 to vector<256x16xi32>
    %select_n3A = arith.select %eq3A_3, %get3A_6, %broadcast_in_dim3A_7 : vector<256x16xi1>, vector<256x16xi32>
    %reduce_min3A = arith.constant dense<2147483647> : vector<256xi32>
    %reduce_min3A_8 = vector.multi_reduction <minsi>, %select_n3A, %reduce_min3A [1] : vector<256x16xi32> to vector<256xi32>
    %broadcast_in_dim3A_9 = vector.shape_cast %reduce_min3A_8 : vector<256xi32> to vector<256x1xi32>
    %get3A_10 = arith.constant 0 : index
    %get3A_11 = arith.constant 0 : index
    %get3A_12 = vector.load %arg1[%get3A_10, %get3A_11] : memref<576x128xf32, #tpu.memory_space<vmem>>, vector<576x128xf32>
    %slice3A = vector.extract_strided_slice %get3A_12 {offsets = [320, 0], sizes = [256, 128], strides = [1, 1]} : vector<576x128xf32> to vector<256x128xf32>
    %iota3A = tpu.iota {dimensions = array<i32: 1>} : vector<256x128xi32>
    %add3A = arith.constant 99968 : i32
    %add3A_13 = vector.broadcast %add3A : i32 to vector<256x128xi32>
    %add3A_14 = arith.addi %iota3A, %add3A_13 : vector<256x128xi32>
    %lt3A = arith.constant 100000 : i32
    %lt3A_15 = vector.broadcast %lt3A : i32 to vector<256x128xi32>
    %lt3A_16 = arith.cmpi slt, %add3A_14, %lt3A_15 : vector<256x128xi32>
    %jit3A_17 = arith.constant 0xFF800000 : f32
    %broadcast_in_dim3A_18 = vector.broadcast %jit3A_17 : f32 to vector<256x128xf32>
    %select_n3A_19 = arith.select %lt3A_16, %slice3A, %broadcast_in_dim3A_18 : vector<256x128xi1>, vector<256x128xf32>
    %reduce_max3A_20 = arith.constant dense<0xFF800000> : vector<256xf32>
    %reduce_max3A_21 = vector.multi_reduction <maximumf>, %select_n3A_19, %reduce_max3A_20 [1] : vector<256x128xf32> to vector<256xf32>
    %broadcast_in_dim3A_22 = vector.shape_cast %reduce_max3A_21 : vector<256xf32> to vector<256x1xf32>
    %eq3A_23 = vector.broadcast %broadcast_in_dim3A_22 : vector<256x1xf32> to vector<256x128xf32>
    %eq3A_24 = arith.cmpf oeq, %select_n3A_19, %eq3A_23 : vector<256x128xf32>
    %jit3A_25 = arith.constant 2147483647 : i32
    %broadcast_in_dim3A_26 = vector.broadcast %jit3A_25 : i32 to vector<256x128xi32>
    %select_n3A_27 = arith.select %eq3A_24, %add3A_14, %broadcast_in_dim3A_26 : vector<256x128xi1>, vector<256x128xi32>
    %reduce_min3A_28 = arith.constant dense<2147483647> : vector<256xi32>
    %reduce_min3A_29 = vector.multi_reduction <minsi>, %select_n3A_27, %reduce_min3A_28 [1] : vector<256x128xi32> to vector<256xi32>
    %broadcast_in_dim3A_30 = vector.shape_cast %reduce_min3A_29 : vector<256xi32> to vector<256x1xi32>
    %gt3A = arith.cmpf ogt, %broadcast_in_dim3A_22, %broadcast_in_dim3A : vector<256x1xf32>
    %select_n3A_31 = arith.select %gt3A, %broadcast_in_dim3A_30, %broadcast_in_dim3A_9 : vector<256x1xi1>, vector<256x1xi32>
    %swap3A = arith.constant 0 : index
    %swap3A_32 = arith.constant 0 : index
    %swap3A_33 = vector.load %arg4[%swap3A, %swap3A_32] : memref<256x1xi32, #tpu.memory_space<vmem>>, vector<256x1xi32>
    tpu.vector_store %arg4[%swap3A, %swap3A_32], %select_n3A_31 {strides = array<i32>} : memref<256x1xi32, #tpu.memory_space<vmem>>, vector<256x1xi32>,
    return
  }
  func.func @transform_0(%arg0: i32) -> (i32, i32) {
    %c0_i32 = arith.constant 0 : i32
    %c781_i32 = arith.constant 781 : i32
    %c0_i32_0 = arith.constant 0 : i32
    return %c0_i32, %c781_i32 : i32, i32
  }
  func.func @transform_1(%arg0: i32) -> (i32, i32) {
    %c0_i32 = arith.constant 0 : i32
    %c0_i32_0 = arith.constant 0 : i32
    %c0_i32_1 = arith.constant 0 : i32
    return %c0_i32, %c0_i32_0 : i32, i32
  }
  func.func @transform_2(%arg0: i32) -> (i32, i32) {
    %c0_i32 = arith.constant 0 : i32
    %c0_i32_0 = arith.constant 0 : i32
    %c0_i32_1 = arith.constant 0 : i32
    return %c0_i32, %c0_i32_0 : i32, i32
  }
  func.func @transform_3(%arg0: i32) -> (i32, i32) {
    %c0_i32 = arith.constant 0 : i32
    %c0_i32_0 = arith.constant 0 : i32
    %c0_i32_1 = arith.constant 0 : i32
    return %c0_i32, %c0_i32_0 : i32, i32
  }
}

module attributes {stable_mosaic.version = 14 : i64} {
  func.func @_tc_argmax_body(%arg0: i32, %arg1: memref<320x4096xf32, #tpu.memory_space<vmem>>, %arg2: memref<320x1xi32, #tpu.memory_space<vmem>>, %arg3: memref<320x1xf32, #tpu.memory_space<vmem>>, %arg4: memref<320x1xi32, #tpu.memory_space<vmem>>) attributes {dimension_semantics = [#tpu.dimension_semantics<arbitrary>], iteration_bounds = array<i64: 25>, scalar_prefetch = 0 : i64, scratch_operands = 2 : i64, tpu.core_type = #tpu.core_type<tc>, window_params = [{transform_indices = @transform_0, window_bounds = array<i64: 320, 4096>}, {pipeline_mode = #tpu.pipeline_mode<synchronous>, transform_indices = @transform_1, window_bounds = array<i64: 320, 1>}]} {
    %eq3A = arith.constant 0 : i32
    %eq3A_0 = arith.cmpi eq, %arg0, %eq3A : i32
    %convert_element_type3A = arith.extui %eq3A_0 : i1 to i32
    %cond3A = arith.constant 0 : i32
    %cond3A_1 = arith.cmpi ne, %convert_element_type3A, %cond3A : i32
    scf.if %cond3A_1 {
      %broadcast_in_dim3A = arith.constant 0xFF800000 : f32
      %broadcast_in_dim3A_13 = vector.broadcast %broadcast_in_dim3A : f32 to vector<320x1xf32>
      %swap3A = arith.constant 0 : index
      %swap3A_14 = arith.constant 0 : index
      %swap3A_15 = vector.load %arg3[%swap3A, %swap3A_14] : memref<320x1xf32, #tpu.memory_space<vmem>>, vector<320x1xf32>
      tpu.vector_store %arg3[%swap3A, %swap3A_14], %broadcast_in_dim3A_13 {strides = array<i32>} : memref<320x1xf32, #tpu.memory_space<vmem>>, vector<320x1xf32>,
      %broadcast_in_dim3A_16 = arith.constant 0 : i32
      %broadcast_in_dim3A_17 = vector.broadcast %broadcast_in_dim3A_16 : i32 to vector<320x1xi32>
      %swap3A_18 = arith.constant 0 : index
      %swap3A_19 = arith.constant 0 : index
      %swap3A_20 = vector.load %arg4[%swap3A_18, %swap3A_19] : memref<320x1xi32, #tpu.memory_space<vmem>>, vector<320x1xi32>
      tpu.vector_store %arg4[%swap3A_18, %swap3A_19], %broadcast_in_dim3A_17 {strides = array<i32>} : memref<320x1xi32, #tpu.memory_space<vmem>>, vector<320x1xi32>,
    } else {
    }
    %iota3A = tpu.iota {dimensions = array<i32: 1>} : vector<320x4096xi32>
    %mul3A = arith.constant 4096 : i32
    %mul3A_2 = arith.muli %arg0, %mul3A : i32
    %add3A = vector.broadcast %mul3A_2 : i32 to vector<320x4096xi32>
    %add3A_3 = arith.addi %iota3A, %add3A : vector<320x4096xi32>
    %lt3A = arith.constant 24 : i32
    %lt3A_4 = arith.cmpi slt, %arg0, %lt3A : i32
    %convert_element_type3A_5 = arith.extui %lt3A_4 : i1 to i32
    %cond3A_6 = arith.constant 0 : i32
    %cond3A_7 = arith.cmpi ne, %convert_element_type3A_5, %cond3A_6 : i32
    scf.if %cond3A_7 {
      %get3A = arith.constant 0 : index
      %get3A_13 = arith.constant 0 : index
      %get3A_14 = vector.load %arg1[%get3A, %get3A_13] : memref<320x4096xf32, #tpu.memory_space<vmem>>, vector<320x4096xf32>
      %reduce_max3A = arith.constant dense<0xFF800000> : vector<320xf32>
      %reduce_max3A_15 = vector.multi_reduction <maximumf>, %get3A_14, %reduce_max3A [1] : vector<320x4096xf32> to vector<320xf32>
      %broadcast_in_dim3A = vector.shape_cast %reduce_max3A_15 : vector<320xf32> to vector<320x1xf32>
      %eq3A_16 = vector.broadcast %broadcast_in_dim3A : vector<320x1xf32> to vector<320x4096xf32>
      %eq3A_17 = arith.cmpf oeq, %get3A_14, %eq3A_16 : vector<320x4096xf32>
      %jit3A = arith.constant 2147483647 : i32
      %broadcast_in_dim3A_18 = vector.broadcast %jit3A : i32 to vector<320x4096xi32>
      %select_n3A = arith.select %eq3A_17, %add3A_3, %broadcast_in_dim3A_18 : vector<320x4096xi1>, vector<320x4096xi32>
      %reduce_min3A = arith.constant dense<2147483647> : vector<320xi32>
      %reduce_min3A_19 = vector.multi_reduction <minsi>, %select_n3A, %reduce_min3A [1] : vector<320x4096xi32> to vector<320xi32>
      %broadcast_in_dim3A_20 = vector.shape_cast %reduce_min3A_19 : vector<320xi32> to vector<320x1xi32>
      %get3A_21 = arith.constant 0 : index
      %get3A_22 = arith.constant 0 : index
      %get3A_23 = vector.load %arg3[%get3A_21, %get3A_22] : memref<320x1xf32, #tpu.memory_space<vmem>>, vector<320x1xf32>
      %gt3A = arith.cmpf ogt, %broadcast_in_dim3A, %get3A_23 : vector<320x1xf32>
      %get3A_24 = arith.constant 0 : index
      %get3A_25 = arith.constant 0 : index
      %get3A_26 = vector.load %arg3[%get3A_24, %get3A_25] : memref<320x1xf32, #tpu.memory_space<vmem>>, vector<320x1xf32>
      %select_n3A_27 = arith.select %gt3A, %broadcast_in_dim3A, %get3A_26 : vector<320x1xi1>, vector<320x1xf32>
      %swap3A = arith.constant 0 : index
      %swap3A_28 = arith.constant 0 : index
      %swap3A_29 = vector.load %arg3[%swap3A, %swap3A_28] : memref<320x1xf32, #tpu.memory_space<vmem>>, vector<320x1xf32>
      tpu.vector_store %arg3[%swap3A, %swap3A_28], %select_n3A_27 {strides = array<i32>} : memref<320x1xf32, #tpu.memory_space<vmem>>, vector<320x1xf32>,
      %get3A_30 = arith.constant 0 : index
      %get3A_31 = arith.constant 0 : index
      %get3A_32 = vector.load %arg4[%get3A_30, %get3A_31] : memref<320x1xi32, #tpu.memory_space<vmem>>, vector<320x1xi32>
      %select_n3A_33 = arith.select %gt3A, %broadcast_in_dim3A_20, %get3A_32 : vector<320x1xi1>, vector<320x1xi32>
      %swap3A_34 = arith.constant 0 : index
      %swap3A_35 = arith.constant 0 : index
      %swap3A_36 = vector.load %arg4[%swap3A_34, %swap3A_35] : memref<320x1xi32, #tpu.memory_space<vmem>>, vector<320x1xi32>
      tpu.vector_store %arg4[%swap3A_34, %swap3A_35], %select_n3A_33 {strides = array<i32>} : memref<320x1xi32, #tpu.memory_space<vmem>>, vector<320x1xi32>,
    } else {
    }
    %eq3A_8 = arith.constant 24 : i32
    %eq3A_9 = arith.cmpi eq, %arg0, %eq3A_8 : i32
    %convert_element_type3A_10 = arith.extui %eq3A_9 : i1 to i32
    %cond3A_11 = arith.constant 0 : i32
    %cond3A_12 = arith.cmpi ne, %convert_element_type3A_10, %cond3A_11 : i32
    scf.if %cond3A_12 {
      %lt3A_13 = arith.constant 100000 : i32
      %lt3A_14 = vector.broadcast %lt3A_13 : i32 to vector<320x4096xi32>
      %lt3A_15 = arith.cmpi slt, %add3A_3, %lt3A_14 : vector<320x4096xi32>
      %get3A = arith.constant 0 : index
      %get3A_16 = arith.constant 0 : index
      %get3A_17 = vector.load %arg1[%get3A, %get3A_16] : memref<320x4096xf32, #tpu.memory_space<vmem>>, vector<320x4096xf32>
      %jit3A = arith.constant 0xFF800000 : f32
      %broadcast_in_dim3A = vector.broadcast %jit3A : f32 to vector<320x4096xf32>
      %select_n3A = arith.select %lt3A_15, %get3A_17, %broadcast_in_dim3A : vector<320x4096xi1>, vector<320x4096xf32>
      %reduce_max3A = arith.constant dense<0xFF800000> : vector<320xf32>
      %reduce_max3A_18 = vector.multi_reduction <maximumf>, %select_n3A, %reduce_max3A [1] : vector<320x4096xf32> to vector<320xf32>
      %broadcast_in_dim3A_19 = vector.shape_cast %reduce_max3A_18 : vector<320xf32> to vector<320x1xf32>
      %eq3A_20 = vector.broadcast %broadcast_in_dim3A_19 : vector<320x1xf32> to vector<320x4096xf32>
      %eq3A_21 = arith.cmpf oeq, %select_n3A, %eq3A_20 : vector<320x4096xf32>
      %jit3A_22 = arith.constant 2147483647 : i32
      %broadcast_in_dim3A_23 = vector.broadcast %jit3A_22 : i32 to vector<320x4096xi32>
      %select_n3A_24 = arith.select %eq3A_21, %add3A_3, %broadcast_in_dim3A_23 : vector<320x4096xi1>, vector<320x4096xi32>
      %reduce_min3A = arith.constant dense<2147483647> : vector<320xi32>
      %reduce_min3A_25 = vector.multi_reduction <minsi>, %select_n3A_24, %reduce_min3A [1] : vector<320x4096xi32> to vector<320xi32>
      %broadcast_in_dim3A_26 = vector.shape_cast %reduce_min3A_25 : vector<320xi32> to vector<320x1xi32>
      %get3A_27 = arith.constant 0 : index
      %get3A_28 = arith.constant 0 : index
      %get3A_29 = vector.load %arg3[%get3A_27, %get3A_28] : memref<320x1xf32, #tpu.memory_space<vmem>>, vector<320x1xf32>
      %gt3A = arith.cmpf ogt, %broadcast_in_dim3A_19, %get3A_29 : vector<320x1xf32>
      %get3A_30 = arith.constant 0 : index
      %get3A_31 = arith.constant 0 : index
      %get3A_32 = vector.load %arg3[%get3A_30, %get3A_31] : memref<320x1xf32, #tpu.memory_space<vmem>>, vector<320x1xf32>
      %select_n3A_33 = arith.select %gt3A, %broadcast_in_dim3A_19, %get3A_32 : vector<320x1xi1>, vector<320x1xf32>
      %swap3A = arith.constant 0 : index
      %swap3A_34 = arith.constant 0 : index
      %swap3A_35 = vector.load %arg3[%swap3A, %swap3A_34] : memref<320x1xf32, #tpu.memory_space<vmem>>, vector<320x1xf32>
      tpu.vector_store %arg3[%swap3A, %swap3A_34], %select_n3A_33 {strides = array<i32>} : memref<320x1xf32, #tpu.memory_space<vmem>>, vector<320x1xf32>,
      %get3A_36 = arith.constant 0 : index
      %get3A_37 = arith.constant 0 : index
      %get3A_38 = vector.load %arg4[%get3A_36, %get3A_37] : memref<320x1xi32, #tpu.memory_space<vmem>>, vector<320x1xi32>
      %select_n3A_39 = arith.select %gt3A, %broadcast_in_dim3A_26, %get3A_38 : vector<320x1xi1>, vector<320x1xi32>
      %swap3A_40 = arith.constant 0 : index
      %swap3A_41 = arith.constant 0 : index
      %swap3A_42 = vector.load %arg4[%swap3A_40, %swap3A_41] : memref<320x1xi32, #tpu.memory_space<vmem>>, vector<320x1xi32>
      tpu.vector_store %arg4[%swap3A_40, %swap3A_41], %select_n3A_39 {strides = array<i32>} : memref<320x1xi32, #tpu.memory_space<vmem>>, vector<320x1xi32>,
      %get3A_43 = arith.constant 0 : index
      %get3A_44 = arith.constant 0 : index
      %get3A_45 = vector.load %arg4[%get3A_43, %get3A_44] : memref<320x1xi32, #tpu.memory_space<vmem>>, vector<320x1xi32>
      %swap3A_46 = arith.constant 0 : index
      %swap3A_47 = arith.constant 0 : index
      %swap3A_48 = vector.load %arg2[%swap3A_46, %swap3A_47] : memref<320x1xi32, #tpu.memory_space<vmem>>, vector<320x1xi32>
      tpu.vector_store %arg2[%swap3A_46, %swap3A_47], %get3A_45 {strides = array<i32>} : memref<320x1xi32, #tpu.memory_space<vmem>>, vector<320x1xi32>,
    } else {
    }
    return
  }
  func.func @transform_0(%arg0: i32) -> (i32, i32) {
    %c0_i32 = arith.constant 0 : i32
    %c0_i32_0 = arith.constant 0 : i32
    return %c0_i32, %arg0 : i32, i32
  }
  func.func @transform_1(%arg0: i32) -> (i32, i32) {
    %c0_i32 = arith.constant 0 : i32
    %c0_i32_0 = arith.constant 0 : i32
    %c0_i32_1 = arith.constant 0 : i32
    return %c0_i32, %c0_i32_0 : i32, i32
  }
}

module attributes {stable_mosaic.version = 14 : i64} {
  func.func @_accept_body(%arg0: memref<64x9xi32, #tpu.memory_space<vmem>>, %arg1: memref<64x8xi32, #tpu.memory_space<vmem>>, %arg2: memref<64x9xi32, #tpu.memory_space<vmem>>) attributes {dimension_semantics = [], scalar_prefetch = 0 : i64, scratch_operands = 0 : i64, tpu.core_type = #tpu.core_type<tc>} {
    %get3A = arith.constant 0 : index
    %get3A_0 = arith.constant 0 : index
    %get3A_1 = vector.load %arg0[%get3A, %get3A_0] : memref<64x9xi32, #tpu.memory_space<vmem>>, vector<64x9xi32>
    %get3A_2 = arith.constant 0 : index
    %get3A_3 = arith.constant 0 : index
    %get3A_4 = vector.load %arg1[%get3A_2, %get3A_3] : memref<64x8xi32, #tpu.memory_space<vmem>>, vector<64x8xi32>
    %slice3A = vector.extract_strided_slice %get3A_1 {offsets = [0, 0], sizes = [64, 8], strides = [1, 1]} : vector<64x9xi32> to vector<64x8xi32>
    %eq3A = arith.cmpi eq, %slice3A, %get3A_4 : vector<64x8xi32>
    %iota3A = tpu.iota {dimensions = array<i32: 1>} : vector<64x8xi32>
    %jit3A = arith.constant 8 : i32
    %broadcast_in_dim3A = vector.broadcast %jit3A : i32 to vector<64x8xi32>
    %select_n3A = arith.select %eq3A, %broadcast_in_dim3A, %iota3A : vector<64x8xi1>, vector<64x8xi32>
    %reduce_min3A = arith.constant dense<2147483647> : vector<64xi32>
    %reduce_min3A_5 = vector.multi_reduction <minsi>, %select_n3A, %reduce_min3A [1] : vector<64x8xi32> to vector<64xi32>
    %broadcast_in_dim3A_6 = vector.shape_cast %reduce_min3A_5 : vector<64xi32> to vector<64x1xi32>
    %iota3A_7 = tpu.iota {dimensions = array<i32: 1>} : vector<64x9xi32>
    %le3A = vector.broadcast %broadcast_in_dim3A_6 : vector<64x1xi32> to vector<64x9xi32>
    %le3A_8 = arith.cmpi sle, %iota3A_7, %le3A : vector<64x9xi32>
    %jit3A_9 = arith.constant -1 : i32
    %broadcast_in_dim3A_10 = vector.broadcast %jit3A_9 : i32 to vector<64x9xi32>
    %select_n3A_11 = arith.select %le3A_8, %get3A_1, %broadcast_in_dim3A_10 : vector<64x9xi1>, vector<64x9xi32>
    %swap3A = arith.constant 0 : index
    %swap3A_12 = arith.constant 0 : index
    %swap3A_13 = vector.load %arg2[%swap3A, %swap3A_12] : memref<64x9xi32, #tpu.memory_space<vmem>>, vector<64x9xi32>
    tpu.vector_store %arg2[%swap3A, %swap3A_12], %select_n3A_11 {strides = array<i32>} : memref<64x9xi32, #tpu.memory_space<vmem>>, vector<64x9xi32>,
    return
  }
}

</mosaic_0001>

<sc_bundles>
// kernel: kernel.6.cloned.1.call-start
scs
__scs_entry_jumppad:
0x0: {  	(pc) =	sbr.rel $0x88, $3  }
0x1: {  	(tag) =	ssettag $0x0;
	lr =	simm.s32 $0x1  }
0x2: {  	[smem:$0x3F9F] =	sst lr;
	_ =	strace $0xD0000000  }
0x3: {  	_ = 	snop  }
0x4: {  	_ = 	snop  }
0x5: {  	_ = 	snop  }
0x6: {  	_ = 	snop  }
0x7: {  	_ = 	snop  }
__scs_overlays_trampoline_lowered:
0x8: {  	[smem:$0x3FAE] =	sst s0  }
0x9: {  	[smem:$0x3FAF] =	sst s1  }
0xa: {  	[smem:$0x3FB0] =	sst s2  }
0xb: {  	[smem:$0x3FB1] =	sst s3  }
0xc: {  	[smem:$0x3FB2] =	sst s4  }
0xd: {  	[smem:$0x3FB3] =	sst s5  }
0xe: {  	[smem:$0x3FB4] =	sst s6  }
0xf: {  	[smem:$0x3FB5] =	sst s7  }
0x10: {  	[smem:$0x3FB6] =	sst s8  }
0x11: {  	[smem:$0x3FB7] =	sst s9;
	s0 =	simm.s32 @!p0 $0x0  }
0x12: {  	s1 =	sld [smem:$0x3F9D];
	s0 =	simm.s32 @p0 $0x1  }
0x13: {  	[smem:$0x3FB8] =	sst s0;
	s0 =	simm.s32 @!p1 $0x0  }
0x14: {  	s2 =	sld [smem:$0x3F9C];
	s0 =	simm.s32 @p1 $0x1  }
0x15: {  	[smem:$0x3FB9] =	sst s0;
	s0 =	simm.s32 @!p2 $0x0  }
0x16: {  	s3 =	sld [smem:$0x3FDB];
	s0 =	simm.s32 @p2 $0x1  }
0x17: {  	s4 =	simm.s32 $0x1BF5;
	[smem:$0x3FBB] =	sst s0  }
0x18: {  	s0 =	sld [smem:$0x3F9E];
	_ =	swait.ge [sflag:s4], $0x0  }
0x19: {  	s7 =	sld [smem:$0x3F9F]  }
0x1a: {  	s8 =	sadd.s32 $0xFFFFE003, lr  }
0x1b: {  	s9 =	sadd.s32 $0xFFFFFEF7, lr;
	s5 =	simm.s32 $0xFFFFFFFF;
	p2 =	slt.u32 s8, $0xFFFFF086  }
0x1c: {  	p1 =	slt.u32 s9, $0xF7A;
	s5 =	simm.s32 @!p2 $0x0  }
0x1d: {  	s5 =	simm.s32 @p1 $0x1;
	p0 =	seq.s32 s7, s2  }
0x1e: {  	s7 =	smul.u32 @!p0 $0xF7A, s2;
	p2 =	seq.s32 @!p0 s5, $0x0  }
0x1f: {  	s9 =	smul.u32 $0xF7A, s1;
	s8 =	simm.s32 @!p0 $0x1BF5;
	p2 =	por !p2, p0  }
0x20: {  	[sflag:s8] =	ssyncset.s32 @!p0 $0xFFFFF086;
	s6 =	sadd.s32 @!p0 s3, s7;
	s7 =	simm.s32 @!p0 $0x108  }
0x21: {  	s3 =	sadd.s32 s3, s9;
	s6 =	sadd.s32 @!p0 $0x88, s6;
	s7 =	simm.s32 @p2 $0x1082  }
0x22: {  	[simem:s7], [sflag:s8] =	dma.local @!p0 [hbm:s6], $0xF7A  }
0x23: {  	s9 =	sor.u32 $0xD0000000, s2;
	s6 =	simm.s32 $0x108;
	_ =	swait.ge @!p0 [sflag:s8], $0x0  }
0x24: {  	s3 =	sadd.s32 $0x88, s3;
	s6 =	simm.s32 @!p1 $0x1082;
	[sflag:s4] =	ssyncset.s32 $0xFFFFF086  }
0x25: {  	[simem:s6], [sflag:s4] =	dma.local [hbm:s3], $0xF7A  }
0x26: {  	[smem:$0x3F9F] =	sst s1;
	(tag) =	ssettag s2;
	_ =	strace s9  }
0x27: {  	s1 =	sld [smem:$0x3FAF]  }
0x28: {  	s2 =	sld [smem:$0x3FB0]  }
0x29: {  	s4 =	sld [smem:$0x3FB2]  }
0x2a: {  	p0 =	seq.s32 s5, $0x0;
	s5 =	sld [smem:$0x3FB3]  }
0x2b: {  	s6 =	sld [smem:$0x3FB4]  }
0x2c: {  	s7 =	sld [smem:$0x3FB5]  }
0x2d: {  	s3 =	simm.s32 $0x108;
	s8 =	sld [smem:$0x3FB6]  }
0x2e: {  	s3 =	simm.s32 @!p0 $0x1082;
	s9 =	sld [smem:$0x3FB7]  }
0x2f: {  	lr =	sadd.s32 s0, s3;
	s0 =	sld [smem:$0x3FAE]  }
0x30: {  	s3 =	sld [smem:$0x3FB1]  }
0x31: {  	[smem:$0x3FBA] =	sst s10  }
0x32: {  	s10 =	sld [smem:$0x3FB8];
	_ =	sdelay $0x3  }
0x33: {  	p0 =	seq.s32 s10, $0x1;
	s10 =	sld [smem:$0x3FBA];
	_ =	sdelay $0x3  }
0x34: {  	[smem:$0x3FBA] =	sst s10  }
0x35: {  	s10 =	sld [smem:$0x3FB9];
	_ =	sdelay $0x3  }
0x36: {  	p1 =	seq.s32 s10, $0x1;
	s10 =	sld [smem:$0x3FBA];
	_ =	sdelay $0x3  }
0x37: {  	[smem:$0x3FBA] =	sst s10  }
0x38: {  	s10 =	sld [smem:$0x3FBB]  }
0x39: {  	_ = 	snop;
	(pc) =	sbr.ind lr, $3  }
0x3a: {  	_ = 	snop  }
0x3b: {  	_ = 	snop  }
0x3c: {  	p2 =	seq.s32 s10, $0x1;
	s10 =	sld [smem:$0x3FBA]  }
0x3d: {  	_ =	shalt  }
0x3e: {  	_ =	shalt  }
0x3f: {  	_ =	shalt  }
0x40: {  	_ =	shalt  }
0x41: {  	_ =	shalt  }
0x42: {  	_ =	shalt  }
0x43: {  	_ =	shalt  }
0x44: {  	_ =	shalt  }
0x45: {  	_ =	shalt  }
0x46: {  	_ =	shalt  }
0x47: {  	_ =	shalt  }
0x48: {  	_ =	shalt  }
0x49: {  	_ =	shalt  }
0x4a: {  	_ =	shalt  }
0x4b: {  	_ =	shalt  }
0x4c: {  	_ =	shalt  }
0x4d: {  	_ =	shalt  }
0x4e: {  	_ =	shalt  }
0x4f: {  	_ =	shalt  }
0x50: {  	_ =	shalt  }
0x51: {  	_ =	shalt  }
0x52: {  	_ =	shalt  }
0x53: {  	_ =	shalt  }
0x54: {  	_ =	shalt  }
0x55: {  	_ =	shalt  }
0x56: {  	_ =	shalt  }
0x57: {  	_ =	shalt  }
0x58: {  	_ =	shalt  }
0x59: {  	_ =	shalt  }
0x5a: {  	_ =	shalt  }
0x5b: {  	_ =	shalt  }
0x5c: {  	_ =	shalt  }
0x5d: {  	_ =	shalt  }
0x5e: {  	_ =	shalt  }
0x5f: {  	_ =	shalt  }
0x60: {  	_ =	shalt  }
0x61: {  	_ =	shalt  }
0x62: {  	_ =	shalt  }
0x63: {  	_ =	shalt  }
0x64: {  	_ =	shalt  }
0x65: {  	_ =	shalt  }
0x66: {  	_ =	shalt  }
0x67: {  	_ =	shalt  }
0x68: {  	_ =	shalt  }
0x69: {  	_ =	shalt  }
0x6a: {  	_ =	shalt  }
0x6b: {  	_ =	shalt  }
0x6c: {  	_ =	shalt  }
0x6d: {  	_ =	shalt  }
0x6e: {  	_ =	shalt  }
0x6f: {  	_ =	shalt  }
0x70: {  	_ =	shalt  }
0x71: {  	_ =	shalt  }
0x72: {  	_ =	shalt  }
0x73: {  	_ =	shalt  }
0x74: {  	_ =	shalt  }
0x75: {  	_ =	shalt  }
0x76: {  	_ =	shalt  }
0x77: {  	_ =	shalt  }
0x78: {  	_ =	shalt  }
0x79: {  	_ =	shalt  }
0x7a: {  	_ =	shalt  }
0x7b: {  	_ =	shalt  }
0x7c: {  	_ =	shalt  }
0x7d: {  	_ =	shalt  }
0x7e: {  	_ =	shalt  }
0x7f: {  	_ =	shalt  }
0x80: {  	_ =	shalt  }
0x81: {  	_ =	shalt  }
0x82: {  	_ =	shalt  }
0x83: {  	_ =	shalt  }
0x84: {  	_ =	shalt  }
0x85: {  	_ =	shalt  }
0x86: {  	_ =	shalt  }
0x87: {  	_ =	shalt  }
.Lfunc_end0:
.L_simem_size_0:
called_computation_lowered:
.L_overlay_start_0:
0x88: {  	s2 =	sld [smem:$0x3FD9]  }
0x89: {  	s3 =	sld [smem:$0x3FFE];
	_ =	sdelay $0x1  }
0x8a: {  	s1 =	srdreg.scid  }
0x8b: {  	s0 =	sand.u32 $0x1, s1  }
0x8c: {  	s17 =	sshll.u32 s0, $0xA;
	s2 =	sadd.s32 s3, s2  }
0x8d: {  	s2 =	sadd.s32 s2, s17  }
0x8e: {  	[smem:$0x3FC6] =	sst s2  }
0x8f: {  	_ = 	snop  }
0x90: {  	s2 =	sld [smem:$0x3FC8];
	(tm) =	ssettm $0x1  }
0x91: {  	s18 =	sld [smem:$0x3FFB];
	_ =	sdelay $0x3  }
0x92: {  	_ =	strace s18  }
0x93: {  	s3 =	sld [smem:$0x3FFC];
	_ =	sdelay $0x3  }
0x94: {  	_ =	strace s3  }
0x95: {  	s3 =	sld [smem:$0x3FFD];
	_ =	sdelay $0x3  }
0x96: {  	_ =	strace s3  }
0x97: {  	_ =	strace $0x8FFFFFFF  }
0x98: {  	s19 =	sld [smem:$0x3FDB];
	_ =	sdelay $0x1  }
0x99: {  	s4 =	simm.s32 $_scs_section_size  }
0x9a: {  	s5 =	simm.s32 $_size__tile_overlayer_lowered;
	s6 =	simm.s32 $_tile_overlayer_lowered  }
0x9b: {  	s22 =	simm.s32 $0x1BFF;
	s21 =	sshll.u32 s6, $0x1;
	s3 =	sadd.s32 s4, s19  }
0x9c: {  	s7 =	simm.s32 $0x0;
	s20 =	sshll.u32 s5, $0x1;
	s5 =	sadd.s32 s21, s3  }
0x9d: {  	[timem:s7], [sflag:s22] =	dma.local [hbm:s5], s20  }
0x9e: {  	_ =	swait.ge [sflag:s22], s20  }
0x9f: {  	s4 =	ssub.s32 $0x0, s20;
	[sflag:s22] =	ssyncset.done $0x0  }
0xa0: {  	[sflag:s22] =	ssyncadd.s32 s4;
	_ =	sdelay $0x1  }
0xa1: {  	s23 =	simm.s32 $0x1B8B  }
0xa2: {  	_ =	swait.ge [sflag:s23], $0x1  }
0xa3: {  	[sflag:s23] =	ssyncset.done $0x0  }
0xa4: {  	s25 =	simm.s32 $0x1B8E;
	s24 =	sld [smem:$0x3FFE];
	[sflag:s23] =	ssyncadd.s32 $0xFFFFFFFF  }
0xa5: {  	s26 =	simm.s32 $execute0_lowered;
	[smem:$0x3FD2] =	sst s25  }
0xa6: {  	s5 =	sshll.u32 s26, $0x1;
	_ =	strace $0x80000046;
	[dreg:$0x1] =	wrdreg $0xFFFFFFFF  }
0xa7: {  	s28 =	simm.s32 $_size_execute0_lowered;
	s3 =	sadd.s32 s3, s5;
	[dreg:$0x0] =	wrdreg $0x0  }
0xa8: {  	s5 =	sshll.u32 s28, $0x1;
	[dreg:$0x2] =	wrdreg s3  }
0xa9: {  	[dreg:$0x3] =	wrdreg s5  }
0xaa: {  	[dreg:$0x4] =	wrdreg $0xC0  }
0xab: {  	_ =	task [dreg:s7], $0x5FFFF  }
0xac: {  	[dreg:$0x1] =	wrdreg $0xFFFFFFFF  }
0xad: {  	[dreg:$0x0] =	wrdreg $0x60  }
0xae: {  	[dreg:$0x2] =	wrdreg s2  }
0xaf: {  	[dreg:$0x3] =	wrdreg s24  }
0xb0: {  	[dreg:$0x4] =	wrdreg $0x9  }
0xb1: {  	_ =	task.clear_ibuf [dreg:s7], $0x5FFFF;
	_ =	strace $0x90000046  }
0xb2: {  	s29 =	simm.s32 $0x9;
	_ =	strace $0x80000048  }
0xb3: {  	_ =	swait.ge [sflag:s29], $0x1  }
0xb4: {  	[sflag:s29] =	ssyncadd.s32 $0xFFFFFFFF  }
0xb5: {  	_ =	strace $0x90000048  }
0xb6: {  	_ =	sfence  }
0xb7: {  	s30 =	sld [smem:$0x0];
	_ =	sdelay $0x2  }
0xb8: {  	s31 =	sshll.u32 s1, $0xD;
	s1 =	sshrl.u32 s1, $0x2  }
0xb9: {  	s3 =	sand.u32 $0x4000, s31;
	s1 =	sadd.s32 s1, s30  }
0xba: {  	s0 =	sor.u32 s3, s0;
	s1 =	sshll.u32 s1, $0x11  }
0xbb: {  	s0 =	sor.u32 s1, s0  }
0xbc: {  	s0 =	sadd.s32 $0x8F2B, s0  }
0xbd: {  	[sflag:s0] =	ssyncadd.remote.s32 $0x1  }
0xbe: {  	_ =	sfence.sel $0xFFFF  }
0xbf: {  	[dreg:$0x0] =	wrdreg $0xFFFFFFFF;
	(pc) =	sbr.abs _section_cstart, $3  }
0xc0: {  	[dreg:$0x1] =	wrdreg $0xFFFFFFFF  }
0xc1: {  	_ =	task.clear_ibuf [dreg:s7], $0x2FFFF;
	_ =	strace $0x9FFFFFFF  }
0xc2: {  	(tm) =	ssettm $0x7FFFFFFF  }
0xc3: {  	_ =	shalt  }
tec
execute0_lowered:
.L_overlay_start_1:
0x0: {  	(tag) =	ssettag $0x1  }
0x1: {  	s1 =	srdreg.scid  }
0x2: {  	s0 =	stileid.u32;
	s2 =	rddreg [dreg:$0x0]  }
0x3: {  	s9 =	rddreg [dreg:$0x1];
	s3 =	simm.s32 $0x0;
	s13 =	simm.s32 $0x1  }
0x4: {  	s14 =	simm.s32 $0x2;
	s15 =	simm.s32 $0x19100;
	s16 =	simm.s32 $0x3  }
0x5: {  	s17 =	simm.s32 $0x19180;
	s4 =	sand.u32 $0x1, s1;
	s31 =	sshll.u32 s0, $0x1  }
0x6: {  	s1 =	rddreg [dreg:$0x2];
	s7 =	sor.u32 s4, s31;
	s4 =	ssub.s32 $0x2, s4  }
0x7: {  	[smem:$0x7FF] =	sst s3;
	s8 =	smul.u32 $0xC3800, s7;
	s6 =	sshrl.u32 s4, $0x1  }
0x8: {  	_ =	strace $0x80000047;
	s12 =	sshll.u32 s7, $0x4;
	s11 =	ssub.s32 s4, s6  }
0x9: {  	s9 =	sadd.s32 s9, s12;
	s12 =	simm.s32 $0xC800;
	s5 =	sshrl.u32 s8, $0x3  }
0xa: {  	s6 =	sadd.s32 $0x1EA5000, s8;
	s7 =	sadd.s32 $0x1EB1800, s8;
	s10 =	sadd.s32 s2, s5  }
0xb: {  	s18 =	simm.s32 $0x0;
	s4 =	sadd.s32 $0x3D1800, s10;
	s5 =	sadd.s32 $0x3D3100, s10  }
0xc: {  	v0 =	vimm.f32 $-Inf;
	v1 =	vimm.s32 $0x0;
	v2 =	vlaneseq.u32;
	s11 =	smax.u32 s11, $0x1;
	s8 =	sadd.s32 $0x3E8F00, s10;
	s10 =	sadd.s32 $0x200, s9  }
.LBB2_1:
0xd: {  	[tilespmem:$0x19000] =	vst v0  }
0xe: {  	[tilespmem:$0x19080] =	vst v1  }
0xf: {  	[tilespmem:$0x19010] =	vst v0  }
0x10: {  	[tilespmem:$0x19090] =	vst v1  }
0x11: {  	[tilespmem:$0x19020] =	vst v0  }
0x12: {  	[tilespmem:$0x190A0] =	vst v1  }
0x13: {  	[tilespmem:$0x19030] =	vst v0  }
0x14: {  	[tilespmem:$0x190B0] =	vst v1  }
0x15: {  	[tilespmem:$0x19040] =	vst v0  }
0x16: {  	[tilespmem:$0x190C0] =	vst v1  }
0x17: {  	[tilespmem:$0x19050] =	vst v0  }
0x18: {  	[tilespmem:$0x190D0] =	vst v1  }
0x19: {  	[tilespmem:$0x19060] =	vst v0  }
0x1a: {  	[tilespmem:$0x190E0] =	vst v1  }
0x1b: {  	[tilespmem:$0x19070] =	vst v0  }
0x1c: {  	[tilespmem:$0x190F0] =	vst v1  }
0x1d: {  	[tilespmem:s3], [sflag:$0x1] =	stream.linear.gather [hbm4b:s4+s3], $0xC800, $0x38;
	[tilespmem:$0x19200] =	vst v63  }
0x1e: {  	s19 =	simm.s32 $0x0;
	s20 =	simm.s32 $0x0  }
0x1f: {  	[tilespmem:s12], [sflag:$0x2] =	stream.linear.gather [hbm4b:s5+s3], $0xC800, $0x38;
	[tilespmem:$0x19200] =	vst v63  }
.LBB2_2:
0x20: {  	_ =	swait.ge [sflag:s13], $0xC800  }
0x21: {  	[sflag:s13] =	ssyncset.done $0x0  }
0x22: {  	s21 =	simm.s32 $0x0;
	s22 =	simm.s32 $0x400;
	[sflag:s13] =	ssyncadd.s32 $0xFFFF3800  }
.LBB2_3:
0x23: {  	s23 =	sshll.u32 s21, $0x4;
	v4 =	vld [tilespmem:s22+$0xFFFFFC00]  }
0x24: {  	v3 =	vld [tilespmem:s23+$0x19000];
	_ =	sdelay $0x1  }
0x25: {  	v5 =	vld [tilespmem:s22+$0xFFFFFC10];
	_ =	sdelay $0x1  }
0x26: {  	v6 =	vld [tilespmem:s22+$0xFFFFFC20]  }
0x27: {  	vm0 =	vgt.f32 v4, v3  }
0x28: {  	v3 =	vsel vm0, v4, v3;
	v4 =	vld [tilespmem:s22+$0xFFFFFC30]  }
0x29: {  	vm1 =	vgt.f32 v5, v3  }
0x2a: {  	v3 =	vsel vm1, v5, v3;
	v5 =	vld [tilespmem:s22+$0xFFFFFC40]  }
0x2b: {  	vm2 =	vgt.f32 v6, v3  }
0x2c: {  	v3 =	vsel vm2, v6, v3;
	v6 =	vld [tilespmem:s22+$0xFFFFFC50]  }
0x2d: {  	vm3 =	vgt.f32 v4, v3  }
0x2e: {  	v3 =	vsel vm3, v4, v3;
	v4 =	vld [tilespmem:s22+$0xFFFFFC60]  }
0x2f: {  	v7 =	vld [tilespmem:s23+$0x19080];
	vm4 =	vgt.f32 v5, v3  }
0x30: {  	v3 =	vsel vm4, v5, v3;
	v5 =	vld [tilespmem:s22+$0xFFFFFC70]  }
0x31: {  	vm5 =	vgt.f32 v6, v3  }
0x32: {  	v3 =	vsel vm5, v6, v3;
	v6 =	vld [tilespmem:s22+$0x0]  }
0x33: {  	s24 =	sadd.s32 $0x0, s19;
	vm6 =	vgt.f32 v4, v3  }
0x34: {  	s25 =	sadd.s32 $0x1, s24;
	v7 =	vsel vm0, s24, v7;
	v3 =	vsel vm6, v4, v3;
	v4 =	vld [tilespmem:s22+$0x10]  }
0x35: {  	s29 =	sadd.s32 $0x2, s24;
	v7 =	vsel vm1, s25, v7;
	vm9 =	vgt.f32 v5, v3  }
0x36: {  	s30 =	sadd.s32 $0x3, s24;
	v7 =	vsel vm2, s29, v7;
	v3 =	vsel vm9, v5, v3;
	v5 =	vld [tilespmem:s22+$0x20]  }
0x37: {  	s31 =	sadd.s32 $0x4, s24;
	v7 =	vsel vm3, s30, v7;
	vm10 =	vgt.f32 v6, v3  }
0x38: {  	s26 =	sadd.s32 $0x5, s24;
	v7 =	vsel vm4, s31, v7;
	v3 =	vsel vm10, v6, v3;
	v6 =	vld [tilespmem:s22+$0x30]  }
0x39: {  	s29 =	sadd.s32 $0x6, s24;
	v7 =	vsel vm5, s26, v7;
	vm11 =	vgt.f32 v4, v3  }
0x3a: {  	s30 =	sadd.s32 $0x7, s24;
	v7 =	vsel vm6, s29, v7;
	v3 =	vsel vm11, v4, v3  }
0x3b: {  	s31 =	sadd.s32 $0x8, s24;
	v7 =	vsel vm9, s30, v7;
	v4 =	vld [tilespmem:s22+$0x40];
	vm12 =	vgt.f32 v5, v3  }
0x3c: {  	s26 =	sadd.s32 $0x9, s24;
	v3 =	vsel vm12, v5, v3;
	v5 =	vsel vm10, s31, v7  }
0x3d: {  	v8 =	vld [tilespmem:s22+$0x50];
	s29 =	sadd.s32 $0xA, s24;
	vm13 =	vgt.f32 v6, v3;
	v5 =	vsel vm11, s26, v5  }
0x3e: {  	s30 =	sadd.s32 $0xB, s24;
	v6 =	vsel vm13, v6, v3;
	v3 =	vsel vm12, s29, v5  }
0x3f: {  	v5 =	vsel vm13, s30, v3;
	v3 =	vld [tilespmem:s22+$0x60]  }
0x40: {  	s31 =	sadd.s32 $0xC, s24;
	vm14 =	vgt.f32 v4, v6  }
0x41: {  	v4 =	vsel vm14, v4, v6;
	v9 =	vsel vm14, s31, v5;
	v5 =	vld [tilespmem:s22+$0x70]  }
0x42: {  	s25 =	sadd.s32 $0x800, s22;
	s29 =	sadd.s32 $0xD, s24;
	vm15 =	vgt.f32 v8, v4  }
0x43: {  	s28 =	simm.s32 $0x20;
	s26 =	simm.s32 $0x10;
	v6 =	vld [tilespmem:s25+$0xFFFFFC00];
	v7 =	vsel vm15, v8, v4;
	v4 =	vsel vm15, s29, v9  }
.LBB2_4:
0x44: {  	p0 =	sne.s32 s28, $0x180;
	vm0 =	vgt.f32 v3, v7;
	s29 =	sadd.s32 $0xE, s24  }
0x45: {  	v8 =	vld [tilespmem:s25+$0xFFFFFC10];
	v3 =	vsel vm0, v3, v7;
	v4 =	vsel vm0, s29, v4  }
0x46: {  	s24 =	sadd.s32 $0xF, s24;
	vm0 =	vgt.f32 v5, v3  }
0x47: {  	v7 =	vld [tilespmem:s25+$0xFFFFFC20];
	v3 =	vsel vm0, v5, v3;
	v4 =	vsel vm0, s24, v4  }
0x48: {  	s24 =	sadd.s32 s26, s19;
	s26 =	smov.u32 s28;
	vm0 =	vgt.f32 v6, v3  }
0x49: {  	v3 =	vsel vm0, v6, v3;
	v4 =	vsel vm0, s24, v4;
	v5 =	vld [tilespmem:s25+$0xFFFFFC30]  }
0x4a: {  	s29 =	sadd.s32 $0x1, s24;
	vm0 =	vgt.f32 v8, v3  }
0x4b: {  	v3 =	vsel vm0, v8, v3;
	v4 =	vsel vm0, s29, v4;
	v6 =	vld [tilespmem:s25+$0xFFFFFC40]  }
0x4c: {  	s29 =	sadd.s32 $0x2, s24;
	vm0 =	vgt.f32 v7, v3  }
0x4d: {  	v3 =	vsel vm0, v7, v3;
	v4 =	vsel vm0, s29, v4;
	v7 =	vld [tilespmem:s25+$0xFFFFFC50]  }
0x4e: {  	s29 =	sadd.s32 $0x3, s24;
	vm0 =	vgt.f32 v5, v3  }
0x4f: {  	v3 =	vsel vm0, v5, v3;
	v4 =	vsel vm0, s29, v4;
	v5 =	vld [tilespmem:s25+$0xFFFFFC60]  }
0x50: {  	s29 =	sadd.s32 $0x4, s24;
	vm0 =	vgt.f32 v6, v3  }
0x51: {  	v3 =	vsel vm0, v6, v3;
	v4 =	vsel vm0, s29, v4;
	v6 =	vld [tilespmem:s25+$0xFFFFFC70]  }
0x52: {  	s29 =	sadd.s32 $0x5, s24;
	vm0 =	vgt.f32 v7, v3  }
0x53: {  	v3 =	vsel vm0, v7, v3;
	v4 =	vsel vm0, s29, v4;
	v7 =	vld [tilespmem:s25+$0x0]  }
0x54: {  	s29 =	sadd.s32 $0x6, s24;
	vm0 =	vgt.f32 v5, v3  }
0x55: {  	v3 =	vsel vm0, v5, v3;
	v4 =	vsel vm0, s29, v4;
	v5 =	vld [tilespmem:s25+$0x10]  }
0x56: {  	s29 =	sadd.s32 $0x7, s24;
	vm0 =	vgt.f32 v6, v3  }
0x57: {  	v3 =	vsel vm0, v6, v3;
	v4 =	vsel vm0, s29, v4;
	v6 =	vld [tilespmem:s25+$0x20]  }
0x58: {  	s29 =	sadd.s32 $0x8, s24;
	vm0 =	vgt.f32 v7, v3  }
0x59: {  	v3 =	vsel vm0, v7, v3;
	v4 =	vsel vm0, s29, v4;
	v7 =	vld [tilespmem:s25+$0x30]  }
0x5a: {  	s29 =	sadd.s32 $0x9, s24;
	vm0 =	vgt.f32 v5, v3  }
0x5b: {  	v3 =	vsel vm0, v5, v3;
	v4 =	vsel vm0, s29, v4;
	v5 =	vld [tilespmem:s25+$0x40]  }
0x5c: {  	s29 =	sadd.s32 $0xA, s24;
	vm0 =	vgt.f32 v6, v3  }
0x5d: {  	v3 =	vsel vm0, v6, v3;
	v4 =	vsel vm0, s29, v4;
	v8 =	vld [tilespmem:s25+$0x50]  }
0x5e: {  	s29 =	sadd.s32 $0xB, s24;
	vm0 =	vgt.f32 v7, v3  }
.Ltmp0:
0x5f: {  	v6 =	vsel vm0, v7, v3;
	v4 =	vsel vm0, s29, v4;
	v3 =	vld [tilespmem:s25+$0x60];
	(pc) =	sbr.rel @p0 .LBB2_4-.Ltmp0, $4  }
0x60: {  	s29 =	sadd.s32 $0xC, s24;
	vm0 =	vgt.f32 v5, v6  }
0x61: {  	v7 =	vsel vm0, v5, v6;
	v4 =	vsel vm0, s29, v4;
	v5 =	vld [tilespmem:s25+$0x70]  }
0x62: {  	s29 =	sadd.s32 $0xD, s24;
	s25 =	sadd.s32 $0x800, s25;
	vm0 =	vgt.f32 v8, v7  }
0x63: {  	s28 =	sadd.s32 $0x10, s28;
	v6 =	vld [tilespmem:s25+$0xFFFFFC00];
	v7 =	vsel vm0, v8, v7;
	v4 =	vsel vm0, s29, v4  }
0x64: {  	vm3 =	vgt.f32 v3, v7  }
0x65: {  	v8 =	vld [tilespmem:s25+$0xFFFFFC10];
	v3 =	vsel vm3, v3, v7  }
0x66: {  	vm4 =	vgt.f32 v5, v3  }
0x67: {  	v50 =	vld [tilespmem:s25+$0xFFFFFC20];
	v3 =	vsel vm4, v5, v3  }
0x68: {  	vm5 =	vgt.f32 v6, v3  }
0x69: {  	v51 =	vld [tilespmem:s25+$0xFFFFFC30];
	v3 =	vsel vm5, v6, v3  }
0x6a: {  	vm6 =	vgt.f32 v8, v3  }
0x6b: {  	v52 =	vld [tilespmem:s25+$0xFFFFFC40];
	v3 =	vsel vm6, v8, v3  }
0x6c: {  	vm7 =	vgt.f32 v50, v3  }
0x6d: {  	v53 =	vld [tilespmem:s25+$0xFFFFFC50];
	v3 =	vsel vm7, v50, v3  }
0x6e: {  	vm8 =	vgt.f32 v51, v3  }
0x6f: {  	v54 =	vld [tilespmem:s25+$0xFFFFFC60];
	v3 =	vsel vm8, v51, v3  }
0x70: {  	vm9 =	vgt.f32 v52, v3  }
0x71: {  	v55 =	vld [tilespmem:s25+$0xFFFFFC70];
	v3 =	vsel vm9, v52, v3  }
0x72: {  	vm0 =	vgt.f32 v53, v3  }
0x73: {  	v56 =	vld [tilespmem:s25+$0x0];
	v3 =	vsel vm0, v53, v3  }
0x74: {  	vm1 =	vgt.f32 v54, v3  }
0x75: {  	v57 =	vld [tilespmem:s25+$0x10];
	v3 =	vsel vm1, v54, v3  }
0x76: {  	s28 =	sadd.s32 $0xE, s24;
	vm2 =	vgt.f32 v55, v3  }
0x77: {  	s31 =	sadd.s32 $0xF, s24;
	v58 =	vld [tilespmem:s25+$0x20];
	v4 =	vsel vm3, s28, v4;
	v3 =	vsel vm2, v55, v3  }
0x78: {  	s24 =	sadd.s32 s26, s19;
	v4 =	vsel vm4, s31, v4;
	vm14 =	vgt.f32 v56, v3  }
0x79: {  	v59 =	vld [tilespmem:s25+$0x30];
	s26 =	sadd.s32 $0x1, s24;
	v4 =	vsel vm5, s24, v4;
	v3 =	vsel vm14, v56, v3  }
0x7a: {  	s28 =	sadd.s32 $0x2, s24;
	v4 =	vsel vm6, s26, v4;
	vm15 =	vgt.f32 v57, v3  }
0x7b: {  	v60 =	vld [tilespmem:s25+$0x40];
	s29 =	sadd.s32 $0x3, s24;
	v4 =	vsel vm7, s28, v4;
	v3 =	vsel vm15, v57, v3  }
0x7c: {  	s30 =	sadd.s32 $0x4, s24;
	v4 =	vsel vm8, s29, v4;
	vm10 =	vgt.f32 v58, v3  }
0x7d: {  	v61 =	vld [tilespmem:s25+$0x50];
	s31 =	sadd.s32 $0x5, s24;
	v4 =	vsel vm9, s30, v4;
	v3 =	vsel vm10, v58, v3  }
0x7e: {  	s28 =	sadd.s32 $0x6, s24;
	v4 =	vsel vm0, s31, v4;
	vm11 =	vgt.f32 v59, v3  }
0x7f: {  	v62 =	vld [tilespmem:s25+$0x60];
	s29 =	sadd.s32 $0x7, s24;
	v4 =	vsel vm1, s28, v4;
	v3 =	vsel vm11, v59, v3  }
0x80: {  	s30 =	sadd.s32 $0x8, s24;
	v4 =	vsel vm2, s29, v4;
	vm12 =	vgt.f32 v60, v3  }
0x81: {  	v63 =	vld [tilespmem:s25+$0x70];
	s31 =	sadd.s32 $0x9, s24;
	v4 =	vsel vm14, s30, v4;
	v3 =	vsel vm12, v60, v3  }
0x82: {  	s26 =	sadd.s32 $0xA, s24;
	v4 =	vsel vm15, s31, v4;
	vm13 =	vgt.f32 v61, v3  }
0x83: {  	s21 =	sadd.s32 $0x1, s21;
	s28 =	sadd.s32 $0xB, s24;
	v4 =	vsel vm10, s26, v4;
	v3 =	vsel vm13, v61, v3  }
0x84: {  	p0 =	sne.s32 s21, $0x8;
	s29 =	sadd.s32 $0xC, s24;
	v4 =	vsel vm11, s28, v4;
	vm14 =	vgt.f32 v62, v3  }
.Ltmp1:
0x85: {  	s30 =	sadd.s32 $0xD, s24;
	v4 =	vsel vm12, s29, v4;
	v3 =	vsel vm14, v62, v3;
	(pc) =	sbr.rel @p0 .LBB2_3-.Ltmp1, $4  }
0x86: {  	s31 =	sadd.s32 $0xE, s24;
	v4 =	vsel vm13, s30, v4;
	vm15 =	vgt.f32 v63, v3  }
0x87: {  	s24 =	sadd.s32 $0xF, s24;
	v4 =	vsel vm14, s31, v4;
	v3 =	vsel vm15, v63, v3  }
0x88: {  	v4 =	vsel vm15, s24, v4;
	[tilespmem:s23+$0x19000] =	vst v3  }
0x89: {  	s22 =	sadd.s32 $0x80, s22;
	[tilespmem:s23+$0x19080] =	vst v4  }
0x8a: {  	s21 =	smul.u32 $0x19000, s20;
	_ =	sdelay $0x1  }
0x8b: {  	s22 =	sadd.s32 s21, s6  }
0x8c: {  	s22 =	sshrl.u32 s22, $0x3  }
0x8d: {  	s23 =	sadd.s32 s2, s22;
	s22 =	simm.s32 $0x0  }
0x8e: {  	[tilespmem:s22], [sflag:$0x1] =	stream.linear.gather [hbm4b:s23+s22], $0xC800, $0x38;
	[tilespmem:$0x19200] =	vst v63  }
0x8f: {  	_ =	swait.ge [sflag:s14], $0xC800  }
0x90: {  	[sflag:s14] =	ssyncset.done $0x0  }
0x91: {  	s23 =	simm.s32 $0xCC00;
	[sflag:s14] =	ssyncadd.s32 $0xFFFF3800  }
.LBB2_7:
0x92: {  	s24 =	sshll.u32 s22, $0x4;
	v4 =	vld [tilespmem:s23+$0xFFFFFC00]  }
0x93: {  	v3 =	vld [tilespmem:s24+$0x19000];
	_ =	sdelay $0x1  }
0x94: {  	v5 =	vld [tilespmem:s23+$0xFFFFFC10];
	_ =	sdelay $0x1  }
0x95: {  	v6 =	vld [tilespmem:s23+$0xFFFFFC20]  }
0x96: {  	vm0 =	vgt.f32 v4, v3  }
0x97: {  	v3 =	vsel vm0, v4, v3;
	v4 =	vld [tilespmem:s23+$0xFFFFFC30]  }
0x98: {  	vm1 =	vgt.f32 v5, v3  }
0x99: {  	v3 =	vsel vm1, v5, v3;
	v5 =	vld [tilespmem:s23+$0xFFFFFC40]  }
0x9a: {  	vm2 =	vgt.f32 v6, v3  }
0x9b: {  	v3 =	vsel vm2, v6, v3;
	v6 =	vld [tilespmem:s23+$0xFFFFFC50]  }
0x9c: {  	vm3 =	vgt.f32 v4, v3  }
0x9d: {  	v3 =	vsel vm3, v4, v3;
	v4 =	vld [tilespmem:s23+$0xFFFFFC60]  }
0x9e: {  	v7 =	vld [tilespmem:s24+$0x19080];
	vm4 =	vgt.f32 v5, v3  }
0x9f: {  	v3 =	vsel vm4, v5, v3;
	v5 =	vld [tilespmem:s23+$0xFFFFFC70]  }
0xa0: {  	vm5 =	vgt.f32 v6, v3  }
0xa1: {  	s25 =	sadd.s32 $0x0, s19;
	v3 =	vsel vm5, v6, v3;
	v6 =	vld [tilespmem:s23+$0x0]  }
0xa2: {  	s26 =	sadd.s32 $0x190, s25;
	vm6 =	vgt.f32 v4, v3  }
0xa3: {  	s30 =	sadd.s32 $0x191, s25;
	v7 =	vsel vm0, s26, v7;
	v3 =	vsel vm6, v4, v3;
	v4 =	vld [tilespmem:s23+$0x10]  }
0xa4: {  	s31 =	sadd.s32 $0x192, s25;
	v7 =	vsel vm1, s30, v7;
	vm9 =	vgt.f32 v5, v3  }
0xa5: {  	s30 =	sadd.s32 $0x193, s25;
	v7 =	vsel vm2, s31, v7;
	v3 =	vsel vm9, v5, v3;
	v5 =	vld [tilespmem:s23+$0x20]  }
0xa6: {  	s31 =	sadd.s32 $0x194, s25;
	v7 =	vsel vm3, s30, v7;
	vm10 =	vgt.f32 v6, v3  }
0xa7: {  	s30 =	sadd.s32 $0x195, s25;
	v7 =	vsel vm4, s31, v7;
	v3 =	vsel vm10, v6, v3;
	v6 =	vld [tilespmem:s23+$0x30]  }
0xa8: {  	s31 =	sadd.s32 $0x196, s25;
	v7 =	vsel vm5, s30, v7;
	vm11 =	vgt.f32 v4, v3  }
0xa9: {  	s30 =	sadd.s32 $0x197, s25;
	v7 =	vsel vm6, s31, v7;
	v3 =	vsel vm11, v4, v3  }
0xaa: {  	s31 =	sadd.s32 $0x198, s25;
	v7 =	vsel vm9, s30, v7;
	v4 =	vld [tilespmem:s23+$0x40];
	vm12 =	vgt.f32 v5, v3  }
0xab: {  	s30 =	sadd.s32 $0x199, s25;
	v3 =	vsel vm12, v5, v3;
	v5 =	vsel vm10, s31, v7  }
0xac: {  	v8 =	vld [tilespmem:s23+$0x50];
	s31 =	sadd.s32 $0x19A, s25;
	vm13 =	vgt.f32 v6, v3;
	v5 =	vsel vm11, s30, v5  }
0xad: {  	s30 =	sadd.s32 $0x19B, s25;
	v6 =	vsel vm13, v6, v3;
	v3 =	vsel vm12, s31, v5  }
0xae: {  	v5 =	vsel vm13, s30, v3;
	v3 =	vld [tilespmem:s23+$0x60]  }
0xaf: {  	s31 =	sadd.s32 $0x19C, s25;
	vm14 =	vgt.f32 v4, v6  }
0xb0: {  	v4 =	vsel vm14, v4, v6;
	v9 =	vsel vm14, s31, v5;
	v5 =	vld [tilespmem:s23+$0x70]  }
0xb1: {  	s26 =	sadd.s32 $0x800, s23;
	s30 =	sadd.s32 $0x19D, s25;
	vm15 =	vgt.f32 v8, v4  }
0xb2: {  	s28 =	simm.s32 $0x10;
	s29 =	simm.s32 $0x20;
	v6 =	vld [tilespmem:s26+$0xFFFFFC00];
	v7 =	vsel vm15, v8, v4;
	v4 =	vsel vm15, s30, v9  }
.LBB2_8:
0xb3: {  	p0 =	sne.s32 s29, $0x180;
	vm0 =	vgt.f32 v3, v7;
	s30 =	sadd.s32 $0x19E, s25  }
0xb4: {  	v8 =	vld [tilespmem:s26+$0xFFFFFC10];
	v3 =	vsel vm0, v3, v7;
	v4 =	vsel vm0, s30, v4  }
0xb5: {  	s30 =	sadd.s32 $0x19F, s25;
	vm0 =	vgt.f32 v5, v3  }
0xb6: {  	s25 =	sadd.s32 s28, s19;
	s28 =	smov.u32 s29;
	v7 =	vld [tilespmem:s26+$0xFFFFFC20];
	v3 =	vsel vm0, v5, v3;
	v4 =	vsel vm0, s30, v4  }
0xb7: {  	s30 =	sadd.s32 $0x190, s25;
	vm0 =	vgt.f32 v6, v3  }
0xb8: {  	v3 =	vsel vm0, v6, v3;
	v4 =	vsel vm0, s30, v4;
	v5 =	vld [tilespmem:s26+$0xFFFFFC30]  }
0xb9: {  	s30 =	sadd.s32 $0x191, s25;
	vm0 =	vgt.f32 v8, v3  }
0xba: {  	v3 =	vsel vm0, v8, v3;
	v4 =	vsel vm0, s30, v4;
	v6 =	vld [tilespmem:s26+$0xFFFFFC40]  }
0xbb: {  	s30 =	sadd.s32 $0x192, s25;
	vm0 =	vgt.f32 v7, v3  }
0xbc: {  	v3 =	vsel vm0, v7, v3;
	v4 =	vsel vm0, s30, v4;
	v7 =	vld [tilespmem:s26+$0xFFFFFC50]  }
0xbd: {  	s30 =	sadd.s32 $0x193, s25;
	vm0 =	vgt.f32 v5, v3  }
0xbe: {  	v3 =	vsel vm0, v5, v3;
	v4 =	vsel vm0, s30, v4;
	v5 =	vld [tilespmem:s26+$0xFFFFFC60]  }
0xbf: {  	s30 =	sadd.s32 $0x194, s25;
	vm0 =	vgt.f32 v6, v3  }
0xc0: {  	v3 =	vsel vm0, v6, v3;
	v4 =	vsel vm0, s30, v4;
	v6 =	vld [tilespmem:s26+$0xFFFFFC70]  }
0xc1: {  	s30 =	sadd.s32 $0x195, s25;
	vm0 =	vgt.f32 v7, v3  }
0xc2: {  	v3 =	vsel vm0, v7, v3;
	v4 =	vsel vm0, s30, v4;
	v7 =	vld [tilespmem:s26+$0x0]  }
0xc3: {  	s30 =	sadd.s32 $0x196, s25;
	vm0 =	vgt.f32 v5, v3  }
0xc4: {  	v3 =	vsel vm0, v5, v3;
	v4 =	vsel vm0, s30, v4;
	v5 =	vld [tilespmem:s26+$0x10]  }
0xc5: {  	s30 =	sadd.s32 $0x197, s25;
	vm0 =	vgt.f32 v6, v3  }
0xc6: {  	v3 =	vsel vm0, v6, v3;
	v4 =	vsel vm0, s30, v4;
	v6 =	vld [tilespmem:s26+$0x20]  }
0xc7: {  	s30 =	sadd.s32 $0x198, s25;
	vm0 =	vgt.f32 v7, v3  }
0xc8: {  	v3 =	vsel vm0, v7, v3;
	v4 =	vsel vm0, s30, v4;
	v7 =	vld [tilespmem:s26+$0x30]  }
0xc9: {  	s30 =	sadd.s32 $0x199, s25;
	vm0 =	vgt.f32 v5, v3  }
0xca: {  	v3 =	vsel vm0, v5, v3;
	v4 =	vsel vm0, s30, v4;
	v5 =	vld [tilespmem:s26+$0x40]  }
0xcb: {  	s30 =	sadd.s32 $0x19A, s25;
	vm0 =	vgt.f32 v6, v3  }
0xcc: {  	v3 =	vsel vm0, v6, v3;
	v4 =	vsel vm0, s30, v4;
	v8 =	vld [tilespmem:s26+$0x50]  }
0xcd: {  	s30 =	sadd.s32 $0x19B, s25;
	vm0 =	vgt.f32 v7, v3  }
.Ltmp2:
0xce: {  	v6 =	vsel vm0, v7, v3;
	v4 =	vsel vm0, s30, v4;
	v3 =	vld [tilespmem:s26+$0x60];
	(pc) =	sbr.rel @p0 .LBB2_8-.Ltmp2, $4  }
0xcf: {  	s30 =	sadd.s32 $0x19C, s25;
	vm0 =	vgt.f32 v5, v6  }
0xd0: {  	v7 =	vsel vm0, v5, v6;
	v4 =	vsel vm0, s30, v4;
	v5 =	vld [tilespmem:s26+$0x70]  }
0xd1: {  	s30 =	sadd.s32 $0x19D, s25;
	s26 =	sadd.s32 $0x800, s26;
	vm0 =	vgt.f32 v8, v7  }
0xd2: {  	s29 =	sadd.s32 $0x10, s29;
	v6 =	vld [tilespmem:s26+$0xFFFFFC00];
	v7 =	vsel vm0, v8, v7;
	v4 =	vsel vm0, s30, v4  }
0xd3: {  	vm5 =	vgt.f32 v3, v7  }
0xd4: {  	v8 =	vld [tilespmem:s26+$0xFFFFFC10];
	v3 =	vsel vm5, v3, v7  }
0xd5: {  	vm6 =	vgt.f32 v5, v3  }
0xd6: {  	v50 =	vld [tilespmem:s26+$0xFFFFFC20];
	v3 =	vsel vm6, v5, v3  }
0xd7: {  	vm7 =	vgt.f32 v6, v3  }
0xd8: {  	v51 =	vld [tilespmem:s26+$0xFFFFFC30];
	v3 =	vsel vm7, v6, v3  }
0xd9: {  	vm8 =	vgt.f32 v8, v3  }
0xda: {  	v52 =	vld [tilespmem:s26+$0xFFFFFC40];
	v3 =	vsel vm8, v8, v3  }
0xdb: {  	vm9 =	vgt.f32 v50, v3  }
0xdc: {  	v53 =	vld [tilespmem:s26+$0xFFFFFC50];
	v3 =	vsel vm9, v50, v3  }
0xdd: {  	vm3 =	vgt.f32 v51, v3  }
0xde: {  	v54 =	vld [tilespmem:s26+$0xFFFFFC60];
	v3 =	vsel vm3, v51, v3  }
0xdf: {  	vm4 =	vgt.f32 v52, v3  }
0xe0: {  	v55 =	vld [tilespmem:s26+$0xFFFFFC70];
	v3 =	vsel vm4, v52, v3  }
0xe1: {  	vm0 =	vgt.f32 v53, v3  }
0xe2: {  	v56 =	vld [tilespmem:s26+$0x0];
	v3 =	vsel vm0, v53, v3  }
0xe3: {  	vm1 =	vgt.f32 v54, v3  }
0xe4: {  	v57 =	vld [tilespmem:s26+$0x10];
	v3 =	vsel vm1, v54, v3  }
0xe5: {  	s29 =	sadd.s32 $0x19E, s25;
	vm2 =	vgt.f32 v55, v3  }
0xe6: {  	s31 =	sadd.s32 $0x19F, s25;
	s28 =	sadd.s32 s28, s19;
	v58 =	vld [tilespmem:s26+$0x20];
	v4 =	vsel vm5, s29, v4;
	v3 =	vsel vm2, v55, v3  }
0xe7: {  	s29 =	sadd.s32 $0x190, s28;
	v4 =	vsel vm6, s31, v4;
	vm14 =	vgt.f32 v56, v3  }
0xe8: {  	v59 =	vld [tilespmem:s26+$0x30];
	s30 =	sadd.s32 $0x191, s28;
	v4 =	vsel vm7, s29, v4;
	v3 =	vsel vm14, v56, v3  }
0xe9: {  	s31 =	sadd.s32 $0x192, s28;
	v4 =	vsel vm8, s30, v4;
	vm15 =	vgt.f32 v57, v3  }
0xea: {  	v60 =	vld [tilespmem:s26+$0x40];
	s29 =	sadd.s32 $0x193, s28;
	v4 =	vsel vm9, s31, v4;
	v3 =	vsel vm15, v57, v3  }
0xeb: {  	s30 =	sadd.s32 $0x194, s28;
	v4 =	vsel vm3, s29, v4;
	vm10 =	vgt.f32 v58, v3  }
0xec: {  	v61 =	vld [tilespmem:s26+$0x50];
	s31 =	sadd.s32 $0x195, s28;
	v4 =	vsel vm4, s30, v4;
	v3 =	vsel vm10, v58, v3  }
0xed: {  	s29 =	sadd.s32 $0x196, s28;
	v4 =	vsel vm0, s31, v4;
	vm11 =	vgt.f32 v59, v3  }
0xee: {  	v62 =	vld [tilespmem:s26+$0x60];
	s30 =	sadd.s32 $0x197, s28;
	v4 =	vsel vm1, s29, v4;
	v3 =	vsel vm11, v59, v3  }
0xef: {  	s31 =	sadd.s32 $0x198, s28;
	v4 =	vsel vm2, s30, v4;
	vm12 =	vgt.f32 v60, v3  }
0xf0: {  	v63 =	vld [tilespmem:s26+$0x70];
	s29 =	sadd.s32 $0x199, s28;
	v4 =	vsel vm14, s31, v4;
	v3 =	vsel vm12, v60, v3  }
0xf1: {  	s30 =	sadd.s32 $0x19A, s28;
	v4 =	vsel vm15, s29, v4;
	vm13 =	vgt.f32 v61, v3  }
0xf2: {  	s22 =	sadd.s32 $0x1, s22;
	s31 =	sadd.s32 $0x19B, s28;
	v4 =	vsel vm10, s30, v4;
	v3 =	vsel vm13, v61, v3  }
0xf3: {  	s26 =	sadd.s32 $0x19C, s28;
	p0 =	sne.s32 s22, $0x8;
	v4 =	vsel vm11, s31, v4;
	vm14 =	vgt.f32 v62, v3  }
.Ltmp3:
0xf4: {  	s29 =	sadd.s32 $0x19D, s28;
	v4 =	vsel vm12, s26, v4;
	v3 =	vsel vm14, v62, v3;
	(pc) =	sbr.rel @p0 .LBB2_7-.Ltmp3, $4  }
0xf5: {  	s30 =	sadd.s32 $0x19E, s28;
	v4 =	vsel vm13, s29, v4;
	vm15 =	vgt.f32 v63, v3  }
0xf6: {  	s31 =	sadd.s32 $0x19F, s28;
	v4 =	vsel vm14, s30, v4;
	v3 =	vsel vm15, v63, v3  }
0xf7: {  	v4 =	vsel vm15, s31, v4;
	[tilespmem:s24+$0x19000] =	vst v3  }
0xf8: {  	s23 =	sadd.s32 $0x80, s23;
	[tilespmem:s24+$0x19080] =	vst v4  }
0xf9: {  	p0 =	seq.s32 s20, $0x6  }
.Ltmp4:
0xfa: {  	_ = 	snop;
	(pc) =	sbr.rel @p0 .LBB2_12-.Ltmp4, $1  }
0xfb: {  	_ =	sdelay $0x3  }
.Ltmp5:
0xfc: {  	(pc) =	sbr.rel .LBB2_2-.Ltmp5, $4  }
0xfd: {  	s21 =	sadd.s32 s21, s7  }
0xfe: {  	s21 =	sshrl.u32 s21, $0x3  }
0xff: {  	s20 =	sadd.s32 $0x1, s20;
	s19 =	sadd.s32 $0x320, s19;
	s21 =	sadd.s32 s2, s21  }
0x100: {  	[tilespmem:s12], [sflag:$0x2] =	stream.linear.gather [hbm4b:s21+s3], $0xC800, $0x38;
	[tilespmem:$0x19200] =	vst v63  }
.LBB2_12:
0x101: {  	s19 =	simm.s32 $0x0  }
0x102: {  	[tilespmem:s12], [sflag:$0x2] =	stream.linear.gather [hbm4b:s8+s19], $0x7C00, $0x38;
	[tilespmem:$0x19200] =	vst v63  }
0x103: {  	_ =	swait.ge [sflag:s13], $0xC800  }
0x104: {  	[sflag:s13] =	ssyncset.done $0x0  }
0x105: {  	s20 =	simm.s32 $0x400;
	[sflag:s13] =	ssyncadd.s32 $0xFFFF3800  }
.LBB2_13:
0x106: {  	s21 =	sshll.u32 s19, $0x4;
	v4 =	vld [tilespmem:s20+$0xFFFFFC00]  }
0x107: {  	v3 =	vld [tilespmem:s21+$0x19000];
	_ =	sdelay $0x1  }
0x108: {  	v5 =	vld [tilespmem:s20+$0xFFFFFC10];
	_ =	sdelay $0x1  }
0x109: {  	v6 =	vld [tilespmem:s20+$0xFFFFFC20]  }
0x10a: {  	vm0 =	vgt.f32 v4, v3  }
0x10b: {  	v3 =	vsel vm0, v4, v3;
	v4 =	vld [tilespmem:s20+$0xFFFFFC30]  }
0x10c: {  	vm1 =	vgt.f32 v5, v3  }
0x10d: {  	v3 =	vsel vm1, v5, v3;
	v5 =	vld [tilespmem:s20+$0xFFFFFC40]  }
0x10e: {  	vm2 =	vgt.f32 v6, v3  }
0x10f: {  	v3 =	vsel vm2, v6, v3;
	v6 =	vld [tilespmem:s20+$0xFFFFFC50]  }
0x110: {  	vm3 =	vgt.f32 v4, v3  }
0x111: {  	v3 =	vsel vm3, v4, v3;
	v4 =	vld [tilespmem:s20+$0xFFFFFC60]  }
0x112: {  	v7 =	vld [tilespmem:s21+$0x19080];
	vm4 =	vgt.f32 v5, v3  }
0x113: {  	v3 =	vsel vm4, v5, v3;
	v5 =	vld [tilespmem:s20+$0xFFFFFC70]  }
0x114: {  	vm5 =	vgt.f32 v6, v3  }
0x115: {  	v3 =	vsel vm5, v6, v3;
	v6 =	vld [tilespmem:s20+$0x0]  }
0x116: {  	s23 =	simm.s32 $0x15E0;
	vm6 =	vgt.f32 v4, v3  }
0x117: {  	s22 =	simm.s32 $0x15E1;
	v7 =	vsel vm0, s23, v7;
	v3 =	vsel vm6, v4, v3;
	v4 =	vld [tilespmem:s20+$0x10]  }
0x118: {  	s28 =	simm.s32 $0x15E2;
	v7 =	vsel vm1, s22, v7;
	vm9 =	vgt.f32 v5, v3  }
0x119: {  	s29 =	simm.s32 $0x15E3;
	v7 =	vsel vm2, s28, v7;
	v3 =	vsel vm9, v5, v3  }
0x11a: {  	s30 =	simm.s32 $0x15E4;
	v7 =	vsel vm3, s29, v7;
	v5 =	vld [tilespmem:s20+$0x20];
	vm10 =	vgt.f32 v6, v3  }
0x11b: {  	s31 =	simm.s32 $0x15E5;
	v7 =	vsel vm4, s30, v7;
	v3 =	vsel vm10, v6, v3  }
0x11c: {  	s24 =	simm.s32 $0x15E6;
	v7 =	vsel vm5, s31, v7;
	v6 =	vld [tilespmem:s20+$0x30];
	vm11 =	vgt.f32 v4, v3  }
0x11d: {  	s25 =	simm.s32 $0x15E7;
	v3 =	vsel vm11, v4, v3;
	v4 =	vsel vm6, s24, v7  }
0x11e: {  	v8 =	vld [tilespmem:s20+$0x40];
	s26 =	simm.s32 $0x15E8;
	v4 =	vsel vm9, s25, v4  }
0x11f: {  	s28 =	simm.s32 $0x15E9;
	vm12 =	vgt.f32 v5, v3;
	v4 =	vsel vm10, s26, v4  }
0x120: {  	s29 =	simm.s32 $0x15EA;
	v3 =	vsel vm12, v5, v3;
	v5 =	vld [tilespmem:s20+$0x50];
	v4 =	vsel vm11, s28, v4  }
0x121: {  	s30 =	simm.s32 $0x15EB;
	vm13 =	vgt.f32 v6, v3;
	v4 =	vsel vm12, s29, v4  }
0x122: {  	v3 =	vsel vm13, v6, v3;
	v6 =	vsel vm13, s30, v4;
	v4 =	vld [tilespmem:s20+$0x60]  }
0x123: {  	vm14 =	vgt.f32 v8, v3  }
0x124: {  	s31 =	simm.s32 $0x15EC;
	v7 =	vsel vm14, v8, v3;
	v3 =	vld [tilespmem:s20+$0x70]  }
0x125: {  	s24 =	sadd.s32 $0x800, s20;
	s26 =	simm.s32 $0x15ED;
	v8 =	vsel vm14, s31, v6;
	vm15 =	vgt.f32 v5, v7  }
0x126: {  	s22 =	simm.s32 $0x15F0;
	s25 =	simm.s32 $0x1600;
	v6 =	vld [tilespmem:s24+$0xFFFFFC00];
	v7 =	vsel vm15, v5, v7;
	v5 =	vsel vm15, s26, v8  }
.LBB2_14:
0x127: {  	p0 =	sne.s32 s25, $0x1760;
	vm0 =	vgt.f32 v4, v7;
	s26 =	sadd.s32 $0xE, s23  }
0x128: {  	v8 =	vld [tilespmem:s24+$0xFFFFFC10];
	v4 =	vsel vm0, v4, v7;
	v5 =	vsel vm0, s26, v5  }
0x129: {  	s26 =	sadd.s32 $0xF, s23;
	s23 =	smov.u32 s22;
	s22 =	smov.u32 s25;
	vm0 =	vgt.f32 v3, v4  }
0x12a: {  	v7 =	vld [tilespmem:s24+$0xFFFFFC20];
	v3 =	vsel vm0, v3, v4;
	v4 =	vsel vm0, s26, v5  }
0x12b: {  	vm0 =	vgt.f32 v6, v3  }
0x12c: {  	v3 =	vsel vm0, v6, v3;
	v4 =	vsel vm0, s23, v4;
	v5 =	vld [tilespmem:s24+$0xFFFFFC30]  }
0x12d: {  	s26 =	sadd.s32 $0x1, s23;
	vm0 =	vgt.f32 v8, v3  }
0x12e: {  	v3 =	vsel vm0, v8, v3;
	v4 =	vsel vm0, s26, v4;
	v6 =	vld [tilespmem:s24+$0xFFFFFC40]  }
0x12f: {  	s26 =	sadd.s32 $0x2, s23;
	vm0 =	vgt.f32 v7, v3  }
0x130: {  	v3 =	vsel vm0, v7, v3;
	v4 =	vsel vm0, s26, v4;
	v7 =	vld [tilespmem:s24+$0xFFFFFC50]  }
0x131: {  	s26 =	sadd.s32 $0x3, s23;
	vm0 =	vgt.f32 v5, v3  }
0x132: {  	v3 =	vsel vm0, v5, v3;
	v4 =	vsel vm0, s26, v4;
	v5 =	vld [tilespmem:s24+$0xFFFFFC60]  }
0x133: {  	s26 =	sadd.s32 $0x4, s23;
	vm0 =	vgt.f32 v6, v3  }
0x134: {  	v3 =	vsel vm0, v6, v3;
	v4 =	vsel vm0, s26, v4;
	v6 =	vld [tilespmem:s24+$0xFFFFFC70]  }
0x135: {  	s26 =	sadd.s32 $0x5, s23;
	vm0 =	vgt.f32 v7, v3  }
0x136: {  	v3 =	vsel vm0, v7, v3;
	v4 =	vsel vm0, s26, v4;
	v7 =	vld [tilespmem:s24+$0x0]  }
0x137: {  	s26 =	sadd.s32 $0x6, s23;
	vm0 =	vgt.f32 v5, v3  }
0x138: {  	v3 =	vsel vm0, v5, v3;
	v4 =	vsel vm0, s26, v4;
	v5 =	vld [tilespmem:s24+$0x10]  }
0x139: {  	s26 =	sadd.s32 $0x7, s23;
	vm0 =	vgt.f32 v6, v3  }
0x13a: {  	v3 =	vsel vm0, v6, v3;
	v4 =	vsel vm0, s26, v4;
	v6 =	vld [tilespmem:s24+$0x20]  }
0x13b: {  	s26 =	sadd.s32 $0x8, s23;
	vm0 =	vgt.f32 v7, v3  }
0x13c: {  	v3 =	vsel vm0, v7, v3;
	v4 =	vsel vm0, s26, v4;
	v7 =	vld [tilespmem:s24+$0x30]  }
0x13d: {  	s26 =	sadd.s32 $0x9, s23;
	vm0 =	vgt.f32 v5, v3  }
0x13e: {  	v3 =	vsel vm0, v5, v3;
	v4 =	vsel vm0, s26, v4;
	v5 =	vld [tilespmem:s24+$0x40]  }
0x13f: {  	s26 =	sadd.s32 $0xA, s23;
	vm0 =	vgt.f32 v6, v3  }
0x140: {  	v3 =	vsel vm0, v6, v3;
	v4 =	vsel vm0, s26, v4;
	v8 =	vld [tilespmem:s24+$0x50]  }
0x141: {  	s26 =	sadd.s32 $0xB, s23;
	vm0 =	vgt.f32 v7, v3  }
.Ltmp6:
0x142: {  	v3 =	vsel vm0, v7, v3;
	v6 =	vsel vm0, s26, v4;
	v4 =	vld [tilespmem:s24+$0x60];
	(pc) =	sbr.rel @p0 .LBB2_14-.Ltmp6, $4  }
0x143: {  	s26 =	sadd.s32 $0xC, s23;
	vm0 =	vgt.f32 v5, v3  }
0x144: {  	v5 =	vsel vm0, v5, v3;
	v9 =	vsel vm0, s26, v6;
	v3 =	vld [tilespmem:s24+$0x70]  }
0x145: {  	s26 =	sadd.s32 $0xD, s23;
	s24 =	sadd.s32 $0x800, s24;
	vm0 =	vgt.f32 v8, v5  }
0x146: {  	s25 =	sadd.s32 $0x10, s25;
	v6 =	vld [tilespmem:s24+$0xFFFFFC00];
	v7 =	vsel vm0, v8, v5;
	v5 =	vsel vm0, s26, v9  }
0x147: {  	vm0 =	vgt.f32 v4, v7  }
0x148: {  	v8 =	vld [tilespmem:s24+$0xFFFFFC10];
	v4 =	vsel vm0, v4, v7  }
0x149: {  	vm1 =	vgt.f32 v3, v4  }
0x14a: {  	v49 =	vld [tilespmem:s24+$0xFFFFFC20];
	v3 =	vsel vm1, v3, v4  }
0x14b: {  	vm2 =	vgt.f32 v6, v3  }
0x14c: {  	v50 =	vld [tilespmem:s24+$0xFFFFFC30];
	v3 =	vsel vm2, v6, v3  }
0x14d: {  	vm3 =	vgt.f32 v8, v3  }
0x14e: {  	v51 =	vld [tilespmem:s24+$0xFFFFFC40];
	v3 =	vsel vm3, v8, v3  }
0x14f: {  	vm4 =	vgt.f32 v49, v3  }
0x150: {  	v52 =	vld [tilespmem:s24+$0xFFFFFC50];
	v3 =	vsel vm4, v49, v3  }
0x151: {  	vm5 =	vgt.f32 v50, v3  }
0x152: {  	v53 =	vld [tilespmem:s24+$0xFFFFFC60];
	v3 =	vsel vm5, v50, v3  }
0x153: {  	vm6 =	vgt.f32 v51, v3  }
0x154: {  	v54 =	vld [tilespmem:s24+$0xFFFFFC70];
	v3 =	vsel vm6, v51, v3  }
0x155: {  	vm7 =	vgt.f32 v52, v3  }
0x156: {  	v55 =	vld [tilespmem:s24+$0x0];
	v3 =	vsel vm7, v52, v3  }
0x157: {  	vm8 =	vgt.f32 v53, v3  }
0x158: {  	v56 =	vld [tilespmem:s24+$0x10];
	v3 =	vsel vm8, v53, v3  }
0x159: {  	s25 =	sadd.s32 $0xE, s23;
	vm9 =	vgt.f32 v54, v3  }
0x15a: {  	s28 =	sadd.s32 $0xF, s23;
	v57 =	vld [tilespmem:s24+$0x20];
	v5 =	vsel vm0, s25, v5;
	v3 =	vsel vm9, v54, v3  }
0x15b: {  	v5 =	vsel vm1, s28, v5;
	vm14 =	vgt.f32 v55, v3  }
0x15c: {  	s29 =	sadd.s32 $0x1, s22;
	v58 =	vld [tilespmem:s24+$0x30];
	v5 =	vsel vm2, s22, v5;
	v3 =	vsel vm14, v55, v3  }
0x15d: {  	s30 =	sadd.s32 $0x2, s22;
	v5 =	vsel vm3, s29, v5;
	vm15 =	vgt.f32 v56, v3  }
0x15e: {  	s31 =	sadd.s32 $0x3, s22;
	v59 =	vld [tilespmem:s24+$0x40];
	v5 =	vsel vm4, s30, v5;
	v3 =	vsel vm15, v56, v3  }
0x15f: {  	s25 =	sadd.s32 $0x4, s22;
	v5 =	vsel vm5, s31, v5;
	vm10 =	vgt.f32 v57, v3  }
0x160: {  	s26 =	sadd.s32 $0x5, s22;
	v60 =	vld [tilespmem:s24+$0x50];
	v5 =	vsel vm6, s25, v5;
	v3 =	vsel vm10, v57, v3  }
0x161: {  	s28 =	sadd.s32 $0x6, s22;
	v5 =	vsel vm7, s26, v5;
	vm11 =	vgt.f32 v58, v3  }
0x162: {  	v61 =	vld [tilespmem:s24+$0x60];
	s29 =	sadd.s32 $0x7, s22;
	v5 =	vsel vm8, s28, v5;
	v3 =	vsel vm11, v58, v3  }
0x163: {  	s30 =	sadd.s32 $0x8, s22;
	v5 =	vsel vm9, s29, v5;
	vm12 =	vgt.f32 v59, v3  }
0x164: {  	v62 =	vld [tilespmem:s24+$0x70];
	s31 =	sadd.s32 $0x9, s22;
	v5 =	vsel vm14, s30, v5;
	v3 =	vsel vm12, v59, v3  }
0x165: {  	s25 =	sadd.s32 $0xA, s22;
	v5 =	vsel vm15, s31, v5;
	vm13 =	vgt.f32 v60, v3  }
0x166: {  	s19 =	sadd.s32 $0x1, s19;
	s26 =	sadd.s32 $0xB, s22;
	v5 =	vsel vm10, s25, v5;
	v3 =	vsel vm13, v60, v3  }
0x167: {  	p0 =	sne.s32 s19, $0x8;
	s28 =	sadd.s32 $0xC, s22;
	v5 =	vsel vm11, s26, v5;
	vm14 =	vgt.f32 v61, v3  }
.Ltmp7:
0x168: {  	s29 =	sadd.s32 $0xD, s22;
	v5 =	vsel vm12, s28, v5;
	v3 =	vsel vm14, v61, v3;
	(pc) =	sbr.rel @p0 .LBB2_13-.Ltmp7, $4  }
0x169: {  	s30 =	sadd.s32 $0xE, s22;
	v5 =	vsel vm13, s29, v5;
	vm15 =	vgt.f32 v62, v3  }
0x16a: {  	s31 =	sadd.s32 $0xF, s22;
	v5 =	vsel vm14, s30, v5;
	v3 =	vsel vm15, v62, v3  }
0x16b: {  	v63 =	vsel vm15, s31, v5;
	[tilespmem:s21+$0x19000] =	vst v3  }
0x16c: {  	s20 =	sadd.s32 $0x80, s20;
	[tilespmem:s21+$0x19080] =	vst v63  }
0x16d: {  	_ =	swait.ge [sflag:s14], $0x7C00  }
0x16e: {  	[sflag:s14] =	ssyncset.done $0x0  }
0x16f: {  	s19 =	simm.s32 $0x0;
	s20 =	simm.s32 $0xC840;
	[sflag:s14] =	ssyncadd.s32 $0xFFFF8400  }
.LBB2_17:
0x170: {  	s21 =	sshll.u32 s19, $0x4;
	v4 =	vld [tilespmem:s20+$0xFFFFFFC0]  }
0x171: {  	v3 =	vld [tilespmem:s21+$0x19000];
	_ =	sdelay $0x1  }
0x172: {  	v5 =	vld [tilespmem:s20+$0xFFFFFFD0];
	_ =	sdelay $0x1  }
0x173: {  	v6 =	vld [tilespmem:s20+$0xFFFFFFE0]  }
0x174: {  	v7 =	vld [tilespmem:s21+$0x19080];
	vm0 =	vgt.f32 v4, v3  }
0x175: {  	v3 =	vsel vm0, v4, v3;
	v4 =	vld [tilespmem:s20+$0xFFFFFFF0]  }
0x176: {  	vm1 =	vgt.f32 v5, v3  }
0x177: {  	v3 =	vsel vm1, v5, v3  }
0x178: {  	s23 =	simm.s32 $0x1770;
	v5 =	vld [tilespmem:s20+$0x0];
	vm2 =	vgt.f32 v6, v3  }
0x179: {  	s22 =	simm.s32 $0x1771;
	v7 =	vsel vm0, s23, v7;
	v3 =	vsel vm2, v6, v3  }
0x17a: {  	s29 =	simm.s32 $0x1772;
	v7 =	vsel vm1, s22, v7;
	v6 =	vld [tilespmem:s20+$0x10];
	vm13 =	vgt.f32 v4, v3  }
0x17b: {  	s30 =	simm.s32 $0x1773;
	v3 =	vsel vm13, v4, v3;
	v4 =	vsel vm2, s29, v7  }
0x17c: {  	v7 =	vsel vm13, s30, v4;
	v4 =	vld [tilespmem:s20+$0x20]  }
0x17d: {  	vm14 =	vgt.f32 v5, v3  }
0x17e: {  	s31 =	simm.s32 $0x1774;
	v8 =	vsel vm14, v5, v3;
	v3 =	vld [tilespmem:s20+$0x30]  }
0x17f: {  	s26 =	simm.s32 $0x1775;
	s24 =	sadd.s32 $0x400, s20;
	v9 =	vsel vm14, s31, v7;
	vm15 =	vgt.f32 v6, v8  }
0x180: {  	s25 =	simm.s32 $0x1780;
	s22 =	simm.s32 $0x1778;
	v5 =	vld [tilespmem:s24+$0xFFFFFFC0];
	v7 =	vsel vm15, v6, v8;
	v6 =	vsel vm15, s26, v9  }
.LBB2_18:
0x181: {  	p0 =	sne.s32 s25, $0x1860;
	vm0 =	vgt.f32 v4, v7;
	s26 =	sadd.s32 $0x6, s23  }
0x182: {  	v8 =	vld [tilespmem:s24+$0xFFFFFFD0];
	v4 =	vsel vm0, v4, v7;
	v6 =	vsel vm0, s26, v6  }
0x183: {  	s26 =	sadd.s32 $0x7, s23;
	s23 =	smov.u32 s22;
	s22 =	smov.u32 s25;
	vm0 =	vgt.f32 v3, v4  }
0x184: {  	v7 =	vld [tilespmem:s24+$0xFFFFFFE0];
	v3 =	vsel vm0, v3, v4;
	v4 =	vsel vm0, s26, v6  }
0x185: {  	vm0 =	vgt.f32 v5, v3  }
0x186: {  	v3 =	vsel vm0, v5, v3;
	v4 =	vsel vm0, s23, v4;
	v5 =	vld [tilespmem:s24+$0xFFFFFFF0]  }
0x187: {  	s26 =	sadd.s32 $0x1, s23;
	vm0 =	vgt.f32 v8, v3  }
0x188: {  	v3 =	vsel vm0, v8, v3;
	v4 =	vsel vm0, s26, v4;
	v6 =	vld [tilespmem:s24+$0x0]  }
0x189: {  	s26 =	sadd.s32 $0x2, s23;
	vm0 =	vgt.f32 v7, v3  }
0x18a: {  	v3 =	vsel vm0, v7, v3;
	v4 =	vsel vm0, s26, v4;
	v7 =	vld [tilespmem:s24+$0x10]  }
0x18b: {  	s26 =	sadd.s32 $0x3, s23;
	vm0 =	vgt.f32 v5, v3  }
.Ltmp8:
0x18c: {  	v3 =	vsel vm0, v5, v3;
	v5 =	vsel vm0, s26, v4;
	v4 =	vld [tilespmem:s24+$0x20];
	(pc) =	sbr.rel @p0 .LBB2_18-.Ltmp8, $4  }
0x18d: {  	s26 =	sadd.s32 $0x4, s23;
	vm0 =	vgt.f32 v6, v3  }
0x18e: {  	v6 =	vsel vm0, v6, v3;
	v8 =	vsel vm0, s26, v5;
	v3 =	vld [tilespmem:s24+$0x30]  }
0x18f: {  	s26 =	sadd.s32 $0x5, s23;
	s24 =	sadd.s32 $0x400, s24;
	vm0 =	vgt.f32 v7, v6  }
0x190: {  	s25 =	sadd.s32 $0x8, s25;
	v5 =	vld [tilespmem:s24+$0xFFFFFFC0];
	v7 =	vsel vm0, v7, v6;
	v6 =	vsel vm0, s26, v8  }
0x191: {  	vm0 =	vgt.f32 v4, v7  }
0x192: {  	v8 =	vld [tilespmem:s24+$0xFFFFFFD0];
	v4 =	vsel vm0, v4, v7  }
0x193: {  	vm1 =	vgt.f32 v3, v4  }
0x194: {  	v57 =	vld [tilespmem:s24+$0xFFFFFFE0];
	v3 =	vsel vm1, v3, v4  }
0x195: {  	vm2 =	vgt.f32 v5, v3  }
0x196: {  	v58 =	vld [tilespmem:s24+$0xFFFFFFF0];
	v3 =	vsel vm2, v5, v3  }
0x197: {  	vm3 =	vgt.f32 v8, v3  }
0x198: {  	v59 =	vld [tilespmem:s24+$0x0];
	v3 =	vsel vm3, v8, v3  }
0x199: {  	vm4 =	vgt.f32 v57, v3  }
0x19a: {  	v60 =	vld [tilespmem:s24+$0x10];
	v3 =	vsel vm4, v57, v3  }
0x19b: {  	s25 =	sadd.s32 $0x6, s23;
	vm5 =	vgt.f32 v58, v3  }
0x19c: {  	s30 =	sadd.s32 $0x7, s23;
	v61 =	vld [tilespmem:s24+$0x20];
	v6 =	vsel vm0, s25, v6;
	v3 =	vsel vm5, v58, v3  }
0x19d: {  	v6 =	vsel vm1, s30, v6;
	vm12 =	vgt.f32 v59, v3  }
0x19e: {  	s31 =	sadd.s32 $0x1, s22;
	v62 =	vld [tilespmem:s24+$0x30];
	v6 =	vsel vm2, s22, v6;
	v3 =	vsel vm12, v59, v3  }
0x19f: {  	s25 =	sadd.s32 $0x2, s22;
	v6 =	vsel vm3, s31, v6;
	vm13 =	vgt.f32 v60, v3  }
0x1a0: {  	s26 =	sadd.s32 $0x3, s22;
	s19 =	sadd.s32 $0x1, s19;
	v6 =	vsel vm4, s25, v6;
	v3 =	vsel vm13, v60, v3  }
0x1a1: {  	s28 =	sadd.s32 $0x4, s22;
	p0 =	sne.s32 s19, $0x8;
	v6 =	vsel vm5, s26, v6;
	vm14 =	vgt.f32 v61, v3  }
.Ltmp9:
0x1a2: {  	s29 =	sadd.s32 $0x5, s22;
	v6 =	vsel vm12, s28, v6;
	v3 =	vsel vm14, v61, v3;
	(pc) =	sbr.rel @p0 .LBB2_17-.Ltmp9, $4  }
0x1a3: {  	s30 =	sadd.s32 $0x6, s22;
	v63 =	vsel vm13, s29, v6;
	vm15 =	vgt.f32 v62, v3  }
0x1a4: {  	s31 =	sadd.s32 $0x7, s22;
	v4 =	vsel vm14, s30, v63;
	v3 =	vsel vm15, v62, v3  }
0x1a5: {  	v4 =	vsel vm15, s31, v4;
	[tilespmem:s21+$0x19000] =	vst v3  }
0x1a6: {  	s20 =	sadd.s32 $0x80, s20;
	[tilespmem:s21+$0x19080] =	vst v4  }
0x1a7: {  	v3 =	vld [tilespmem:$0x19080]  }
0x1a8: {  	v5 =	vld [tilespmem:$0x19000]  }
0x1a9: {  	v4 =	vld [tilespmem:$0x19090]  }
0x1aa: {  	v7 =	vld [tilespmem:$0x19010]  }
0x1ab: {  	v6 =	vld [tilespmem:$0x190A0]  }
0x1ac: {  	v54 =	vld [tilespmem:$0x19020];
	v3 =	vshll.u32 v3, $0x4  }
0x1ad: {  	v8 =	vld [tilespmem:$0x190B0];
	[tilespmem:$0x19180] =	vst v5;
	v3 =	vor.u32 v2, v3  }
0x1ae: {  	v56 =	vld [tilespmem:$0x19030];
	[tilespmem:$0x19100] =	vst v3;
	v3 =	vshll.u32 v4, $0x4  }
0x1af: {  	v55 =	vld [tilespmem:$0x190C0];
	[tilespmem:$0x19190] =	vst v7;
	v3 =	vor.u32 v2, v3  }
0x1b0: {  	v58 =	vld [tilespmem:$0x19040];
	[tilespmem:$0x19110] =	vst v3;
	v3 =	vshll.u32 v6, $0x4  }
0x1b1: {  	v57 =	vld [tilespmem:$0x190D0];
	[tilespmem:$0x191A0] =	vst v54;
	v3 =	vor.u32 v2, v3  }
0x1b2: {  	v60 =	vld [tilespmem:$0x19050];
	[tilespmem:$0x19120] =	vst v3;
	v3 =	vshll.u32 v8, $0x4  }
0x1b3: {  	v59 =	vld [tilespmem:$0x190E0];
	[tilespmem:$0x191B0] =	vst v56;
	v3 =	vor.u32 v2, v3  }
0x1b4: {  	v62 =	vld [tilespmem:$0x19060];
	[tilespmem:$0x19130] =	vst v3;
	v3 =	vshll.u32 v55, $0x4  }
0x1b5: {  	v61 =	vld [tilespmem:$0x190F0];
	[tilespmem:$0x191C0] =	vst v58;
	v3 =	vor.u32 v2, v3  }
0x1b6: {  	v63 =	vld [tilespmem:$0x19070];
	[tilespmem:$0x19140] =	vst v3;
	v3 =	vshll.u32 v57, $0x4  }
0x1b7: {  	[tilespmem:$0x191D0] =	vst v60;
	v3 =	vor.u32 v2, v3  }
0x1b8: {  	[tilespmem:$0x19150] =	vst v3;
	v3 =	vshll.u32 v59, $0x4  }
0x1b9: {  	[tilespmem:$0x191E0] =	vst v62;
	v3 =	vor.u32 v2, v3  }
0x1ba: {  	[tilespmem:$0x19160] =	vst v3;
	v3 =	vshll.u32 v61, $0x4  }
0x1bb: {  	[tilespmem:$0x191F0] =	vst v63;
	v3 =	vor.u32 v2, v3  }
0x1bc: {  	[tilespmem:$0x19170] =	vst v3  }
0x1bd: {  	[hbm4b:s9+s3] =	stream.linear.scatter [tilespmem:s15], [sflag:$0x3], $0x80, $0x38;
	[tilespmem:$0x19200] =	vst v63  }
0x1be: {  	s18 =	sadd.s32 $0x1, s18;
	_ =	swait.ge [sflag:s16], $0x80  }
0x1bf: {  	p0 =	sne.s32 s18, s11;
	[sflag:s16] =	ssyncset.done $0x0  }
.Ltmp10:
0x1c0: {  	[sflag:s16] =	ssyncadd.s32 $0xFFFFFF80;
	(pc) =	sbr.rel @p0 .LBB2_1-.Ltmp10, $4  }
0x1c1: {  	[hbm4b:s10+s3] =	stream.linear.scatter [tilespmem:s17], [sflag:$0x3], $0x80, $0x38;
	[tilespmem:$0x19200] =	vst v63  }
0x1c2: {  	_ =	swait.ge [sflag:s16], $0x80  }
0x1c3: {  	[sflag:s16] =	ssyncset.done $0x0  }
0x1c4: {  	[sflag:s16] =	ssyncadd.s32 $0xFFFFFF80  }
0x1c5: {  	_ =	sfence.sel $0x180000  }
0x1c6: {  	[bflag:$0x0] =	sbarrier.arrive $0xFFFF  }
0x1c7: {  	p0 =	sne.s32 s0, $0x0;
	_ =	strace $0x90000047  }
0x1c8: {  	s0 =	sadd.s32 @!p0 $0x100000, s1;
	[bflag:$0x2] =	sbarrier.arrive $0xFFFF  }
0x1c9: {  	[sflag:s0] =	ssyncadd.tile.s32 @!p0 $0x1;
	_ =	shalt  }
.Lfunc_end2:
_tile_overlayer_lowered:
.L_overlay_start_2:
0x1ca: {  	(tag) =	ssettag $0x2  }
0x1cb: {  	s0 =	rddreg [dreg:$0x0];
	s2 =	stileid.u32  }
0x1cc: {  	s1 =	rddreg [dreg:$0x1];
	p0 =	sne.s32 s2, $0x0  }
0x1cd: {  	s3 =	rddreg [dreg:$0x2];
	[bflag:$0x3] =	sbarrier.arrive $0xFFFF;
	s2 =	simm.s32 @!p0 $0x1C03  }
0x1ce: {  	[timem:s3], [sflag:s2] =	dma.local @!p0 [hbm:s0], s1  }
0x1cf: {  	s0 =	simm.s32 @!p0 $0x3  }
0x1d0: {  	_ =	swait.ge @!p0 [sflag:s0], s1  }
0x1d1: {  	s1 =	ssub.s32 @!p0 $0x0, s1;
	[sflag:s0] =	ssyncset.done @!p0 $0x0  }
0x1d2: {  	[sflag:s0] =	ssyncadd.s32 @!p0 s1  }
0x1d3: {  	[bflag:$0x3] =	sbarrier.arrive $0xFFFF  }
0x1d4: {  	_ =	shalt  }

</sc_bundles>
